<compile_context>
chip_gen: v7x
topology: tpu7x:2x2x1
jax: 0.10.2.dev20260603
libtpu: 0.0.44.dev20260713+nightly
codegen_flags: <defaults>
</compile_context>

<pallas_src>
import functools

import jax
import jax.numpy as jnp
from jax import lax
from jax.experimental import pallas as pl
from jax.experimental.pallas import tpu as pltpu
from jax.experimental.pallas import tpu_sc as plsc

N_SERIES = 64
BATCH = 16384
CTX = 200

NW = 32
RW = BATCH // NW
CHUNK = 64
CHUNK_ELEMS = CHUNK * CTX
N_CHUNKS = RW // CHUNK
PAIRS = CHUNK // 2
VREGS_PER_PAIR = (2 * CTX) // 16


def _body(x_hbm, i_hbm, loc_hbm, scale_hbm, out_hbm,
          xb, ob, loc_v, inv_v, idx_v, a_v, b_v):
    nc = 2
    wid = lax.axis_index("s") * nc + lax.axis_index("c")
    base_row = wid * RW

    pltpu.sync_copy(loc_hbm, loc_v)
    pltpu.sync_copy(scale_hbm, inv_v)
    pltpu.sync_copy(i_hbm.at[pl.ds(base_row, RW)], idx_v)

    one = jnp.full((16,), 1.0, jnp.float32)
    for k in range(N_SERIES // 16):
        sl = pl.ds(16 * k, 16)
        inv_v[sl] = one / inv_v[sl]

    for k in range(RW // 16):
        sl = pl.ds(16 * k, 16)
        iv = idx_v[sl]
        lv = plsc.load_gather(loc_v, [iv])
        nv = plsc.load_gather(inv_v, [iv])
        a_v[sl] = nv
        b_v[sl] = -lv * nv

    lane = lax.iota(jnp.int32, 16)
    mid_mask = lane < 8

    def chunk_body(c, _):
        elem_off = (base_row + c * CHUNK) * CTX
        pltpu.sync_copy(x_hbm.at[pl.ds(elem_off, CHUNK_ELEMS)], xb)

        def pair_body(p, _):
            r0 = c * CHUNK + 2 * p
            i0 = jnp.full((16,), r0, jnp.int32)
            i1 = i0 + 1
            a0 = plsc.load_gather(a_v, [i0])
            b0 = plsc.load_gather(b_v, [i0])
            a1 = plsc.load_gather(a_v, [i1])
            b1 = plsc.load_gather(b_v, [i1])
            am = jnp.where(mid_mask, a0, a1)
            bm = jnp.where(mid_mask, b0, b1)
            pbase = p * (2 * CTX)
            for j in range(VREGS_PER_PAIR):
                if j < 12:
                    a, b = a0, b0
                elif j > 12:
                    a, b = a1, b1
                else:
                    a, b = am, bm
                sl = pl.ds(pbase + 16 * j, 16)
                ob[sl] = xb[sl] * a + b
            return 0

        lax.fori_loop(0, PAIRS, pair_body, 0)
        pltpu.sync_copy(ob, out_hbm.at[pl.ds(elem_off, CHUNK_ELEMS)])
        return 0

    lax.fori_loop(0, N_CHUNKS, chunk_body, 0)


@jax.jit
def kernel(x, i, loc, scale):
    mesh = plsc.VectorSubcoreMesh(
        core_axis_name="c", subcore_axis_name="s", num_cores=2, num_subcores=16
    )
    k = pl.kernel(
        _body,
        out_type=jax.ShapeDtypeStruct((BATCH * CTX,), jnp.float32),
        mesh=mesh,
        compiler_params=pltpu.CompilerParams(needs_layout_passes=False),
        scratch_types=[
            pltpu.VMEM((CHUNK_ELEMS,), jnp.float32),
            pltpu.VMEM((CHUNK_ELEMS,), jnp.float32),
            pltpu.VMEM((N_SERIES,), jnp.float32),
            pltpu.VMEM((N_SERIES,), jnp.float32),
            pltpu.VMEM((RW,), jnp.int32),
            pltpu.VMEM((RW,), jnp.float32),
            pltpu.VMEM((RW,), jnp.float32),
        ],
    )
    out_flat = k(x.reshape(-1), i.astype(jnp.int32), loc, scale)
    return out_flat.reshape(BATCH, CTX)

# --- scband reference (transcript-rebuilt; emitter-appended) ---
"""Pipeline reference for scband-standardization-87351044866621 (READ-ONLY COPY).

The authoritative reference and input builder live on the scoring server;
editing this copy changes nothing except your own understanding.
"""

import jax, jax.numpy as jnp
import numpy as np

N_SERIES = 64
BATCH = 16384
CTX = 200

def setup_inputs(seed: int = 0) -> dict:
    key = jax.random.key(seed)
    k1, k2 = jax.random.split(key, 2)
    x = jax.random.normal(k1, (BATCH, CTX), dtype=jnp.float32)
    i = jax.random.randint(k2, (BATCH,), 0, N_SERIES)
    # Learned/statistic parameters per init_kwargs: loc zeros, scale ones, each length N_SERIES
    loc = jnp.zeros((N_SERIES,), dtype=jnp.float32)
    scale = jnp.ones((N_SERIES,), dtype=jnp.float32)
    return {"x": x, "i": i, "loc": loc, "scale": scale}

def reference(x, i, loc, scale):
    # mode='norm' (str arg closed over as a constant)
    loc2 = loc.reshape((-1, 1))
    scale2 = scale.reshape((-1, 1))
    # gather rows by patch index i, broadcast over context_len
    out = (x - loc2[i]) / scale2[i]
    return out

if __name__ == "__main__":
    import jax
    _d = setup_inputs()
    print(jax.jit(kernel)(*tuple(_d.values())))

</pallas_src>

<mosaic_0001>
#map = affine_map<(d0, d1) -> (0)>
module attributes {stable_mosaic.version = 14 : i64} {
  func.func @_body(%arg0: i32, %arg1: i32, %arg2: memref<3276800xf32, #tpu.memory_space<hbm>>, %arg3: memref<16384xi32, #tpu.memory_space<hbm>>, %arg4: memref<64xf32, #tpu.memory_space<hbm>>, %arg5: memref<64xf32, #tpu.memory_space<hbm>>, %arg6: memref<3276800xf32, #tpu.memory_space<hbm>>, %arg7: memref<12800xf32, #tpu.memory_space<vmem>>, %arg8: memref<12800xf32, #tpu.memory_space<vmem>>, %arg9: memref<64xf32, #tpu.memory_space<vmem>>, %arg10: memref<64xf32, #tpu.memory_space<vmem>>, %arg11: memref<512xi32, #tpu.memory_space<vmem>>, %arg12: memref<512xf32, #tpu.memory_space<vmem>>, %arg13: memref<512xf32, #tpu.memory_space<vmem>>) attributes {dimension_semantics = [#tpu.dimension_semantics<core_parallel>, #tpu.dimension_semantics<subcore_parallel>], iteration_bounds = array<i64: 2, 16>, scalar_prefetch = 0 : i64, scratch_operands = 7 : i64, tpu.core_type = #tpu.core_type<sc_vector_subcore>, window_params = [{transform_indices = #map}, {transform_indices = #map}, {transform_indices = #map}, {transform_indices = #map}, {transform_indices = #map}]} {
    %mul3A = arith.constant 2 : i32
    %mul3A_0 = arith.muli %arg1, %mul3A : i32
    %add3A = arith.addi %mul3A_0, %arg0 : i32
    %mul3A_1 = arith.constant 512 : i32
    %mul3A_2 = arith.muli %add3A, %mul3A_1 : i32
    "tpu.region"() ({
      %run_scoped3A = tpu.sem_alloc : memref<!tpu.dma_semaphore, #tpu.memory_space<semaphore_mem>>
      tpu.enqueue_dma source(%arg4 : memref<64xf32, #tpu.memory_space<hbm>>) target(%arg9 : memref<64xf32, #tpu.memory_space<vmem>>) target_semaphore(%run_scoped3A : memref<!tpu.dma_semaphore, #tpu.memory_space<semaphore_mem>>)
      tpu.wait_dma2 semaphore(%run_scoped3A : memref<!tpu.dma_semaphore, #tpu.memory_space<semaphore_mem>>) src(%arg4 : memref<64xf32, #tpu.memory_space<hbm>>) dst(%arg9 : memref<64xf32, #tpu.memory_space<vmem>>)
      tpu.yield
    }) : () -> ()
    "tpu.region"() ({
      %run_scoped3A = tpu.sem_alloc : memref<!tpu.dma_semaphore, #tpu.memory_space<semaphore_mem>>
      tpu.enqueue_dma source(%arg5 : memref<64xf32, #tpu.memory_space<hbm>>) target(%arg10 : memref<64xf32, #tpu.memory_space<vmem>>) target_semaphore(%run_scoped3A : memref<!tpu.dma_semaphore, #tpu.memory_space<semaphore_mem>>)
      tpu.wait_dma2 semaphore(%run_scoped3A : memref<!tpu.dma_semaphore, #tpu.memory_space<semaphore_mem>>) src(%arg5 : memref<64xf32, #tpu.memory_space<hbm>>) dst(%arg10 : memref<64xf32, #tpu.memory_space<vmem>>)
      tpu.yield
    }) : () -> ()
    "tpu.region"() ({
      %run_scoped3A = tpu.sem_alloc : memref<!tpu.dma_semaphore, #tpu.memory_space<semaphore_mem>>
      %dma_start3A = tpu.memref_slice %arg3[%mul3A_2] : memref<16384xi32, #tpu.memory_space<hbm>> -> memref<512xi32, #tpu.memory_space<hbm>>
      %dma_start3A_411 = tpu.memref_slice %arg3[%mul3A_2] : memref<16384xi32, #tpu.memory_space<hbm>> -> memref<512xi32, #tpu.memory_space<hbm>>
      tpu.enqueue_dma source(%dma_start3A_411 : memref<512xi32, #tpu.memory_space<hbm>>) target(%arg11 : memref<512xi32, #tpu.memory_space<vmem>>) target_semaphore(%run_scoped3A : memref<!tpu.dma_semaphore, #tpu.memory_space<semaphore_mem>>)
      %dma_wait3A = tpu.memref_slice %arg3[%mul3A_2] : memref<16384xi32, #tpu.memory_space<hbm>> -> memref<512xi32, #tpu.memory_space<hbm>>
      %dma_wait3A_412 = tpu.memref_slice %arg3[%mul3A_2] : memref<16384xi32, #tpu.memory_space<hbm>> -> memref<512xi32, #tpu.memory_space<hbm>>
      tpu.wait_dma2 semaphore(%run_scoped3A : memref<!tpu.dma_semaphore, #tpu.memory_space<semaphore_mem>>) src(%dma_wait3A_412 : memref<512xi32, #tpu.memory_space<hbm>>) dst(%arg11 : memref<512xi32, #tpu.memory_space<vmem>>)
      tpu.yield
    }) : () -> ()
    %broadcast_in_dim3A = arith.constant 1.000000e+00 : f32
    %broadcast_in_dim3A_3 = vector.broadcast %broadcast_in_dim3A : f32 to vector<16xf32>
    %get3A = arith.constant 0 : index
    %get3A_4 = tpu.vector_load %arg10[%get3A] {strides = array<i32>} : memref<64xf32, #tpu.memory_space<vmem>>, vector<16xf32>,
    %div3A = arith.divf %broadcast_in_dim3A_3, %get3A_4 : vector<16xf32>
    %swap3A = arith.constant 0 : index
    %swap3A_5 = tpu.vector_load %arg10[%swap3A] {strides = array<i32>} : memref<64xf32, #tpu.memory_space<vmem>>, vector<16xf32>,
    tpu.vector_store %arg10[%swap3A], %div3A {strides = array<i32>} : memref<64xf32, #tpu.memory_space<vmem>>, vector<16xf32>,
    %get3A_6 = arith.constant 16 : index
    %get3A_7 = tpu.vector_load %arg10[%get3A_6] {strides = array<i32>} : memref<64xf32, #tpu.memory_space<vmem>>, vector<16xf32>,
    %div3A_8 = arith.divf %broadcast_in_dim3A_3, %get3A_7 : vector<16xf32>
    %swap3A_9 = arith.constant 16 : index
    %swap3A_10 = tpu.vector_load %arg10[%swap3A_9] {strides = array<i32>} : memref<64xf32, #tpu.memory_space<vmem>>, vector<16xf32>,
    tpu.vector_store %arg10[%swap3A_9], %div3A_8 {strides = array<i32>} : memref<64xf32, #tpu.memory_space<vmem>>, vector<16xf32>,
    %get3A_11 = arith.constant 32 : index
    %get3A_12 = tpu.vector_load %arg10[%get3A_11] {strides = array<i32>} : memref<64xf32, #tpu.memory_space<vmem>>, vector<16xf32>,
    %div3A_13 = arith.divf %broadcast_in_dim3A_3, %get3A_12 : vector<16xf32>
    %swap3A_14 = arith.constant 32 : index
    %swap3A_15 = tpu.vector_load %arg10[%swap3A_14] {strides = array<i32>} : memref<64xf32, #tpu.memory_space<vmem>>, vector<16xf32>,
    tpu.vector_store %arg10[%swap3A_14], %div3A_13 {strides = array<i32>} : memref<64xf32, #tpu.memory_space<vmem>>, vector<16xf32>,
    %get3A_16 = arith.constant 48 : index
    %get3A_17 = tpu.vector_load %arg10[%get3A_16] {strides = array<i32>} : memref<64xf32, #tpu.memory_space<vmem>>, vector<16xf32>,
    %div3A_18 = arith.divf %broadcast_in_dim3A_3, %get3A_17 : vector<16xf32>
    %swap3A_19 = arith.constant 48 : index
    %swap3A_20 = tpu.vector_load %arg10[%swap3A_19] {strides = array<i32>} : memref<64xf32, #tpu.memory_space<vmem>>, vector<16xf32>,
    tpu.vector_store %arg10[%swap3A_19], %div3A_18 {strides = array<i32>} : memref<64xf32, #tpu.memory_space<vmem>>, vector<16xf32>,
    %get3A_21 = arith.constant 0 : index
    %get3A_22 = tpu.vector_load %arg11[%get3A_21] {strides = array<i32>} : memref<512xi32, #tpu.memory_space<vmem>>, vector<16xi32>,
    %gather3A = tpu.vector_load_idx %arg9[%get3A_22] : memref<64xf32, #tpu.memory_space<vmem>>[vector<16xi32>], vector<16xf32>,
    %gather3A_23 = tpu.vector_load_idx %arg10[%get3A_22] : memref<64xf32, #tpu.memory_space<vmem>>[vector<16xi32>], vector<16xf32>,
    %swap3A_24 = arith.constant 0 : index
    %swap3A_25 = tpu.vector_load %arg12[%swap3A_24] {strides = array<i32>} : memref<512xf32, #tpu.memory_space<vmem>>, vector<16xf32>,
    tpu.vector_store %arg12[%swap3A_24], %gather3A_23 {strides = array<i32>} : memref<512xf32, #tpu.memory_space<vmem>>, vector<16xf32>,
    %neg3A = arith.constant 0.000000e+00 : f32
    %neg3A_26 = vector.broadcast %neg3A : f32 to vector<16xf32>
    %neg3A_27 = arith.subf %neg3A_26, %gather3A : vector<16xf32>
    %mul3A_28 = arith.mulf %neg3A_27, %gather3A_23 : vector<16xf32>
    %swap3A_29 = arith.constant 0 : index
    %swap3A_30 = tpu.vector_load %arg13[%swap3A_29] {strides = array<i32>} : memref<512xf32, #tpu.memory_space<vmem>>, vector<16xf32>,
    tpu.vector_store %arg13[%swap3A_29], %mul3A_28 {strides = array<i32>} : memref<512xf32, #tpu.memory_space<vmem>>, vector<16xf32>,
    %get3A_31 = arith.constant 16 : index
    %get3A_32 = tpu.vector_load %arg11[%get3A_31] {strides = array<i32>} : memref<512xi32, #tpu.memory_space<vmem>>, vector<16xi32>,
    %gather3A_33 = tpu.vector_load_idx %arg9[%get3A_32] : memref<64xf32, #tpu.memory_space<vmem>>[vector<16xi32>], vector<16xf32>,
    %gather3A_34 = tpu.vector_load_idx %arg10[%get3A_32] : memref<64xf32, #tpu.memory_space<vmem>>[vector<16xi32>], vector<16xf32>,
    %swap3A_35 = arith.constant 16 : index
    %swap3A_36 = tpu.vector_load %arg12[%swap3A_35] {strides = array<i32>} : memref<512xf32, #tpu.memory_space<vmem>>, vector<16xf32>,
    tpu.vector_store %arg12[%swap3A_35], %gather3A_34 {strides = array<i32>} : memref<512xf32, #tpu.memory_space<vmem>>, vector<16xf32>,
    %neg3A_37 = arith.constant 0.000000e+00 : f32
    %neg3A_38 = vector.broadcast %neg3A_37 : f32 to vector<16xf32>
    %neg3A_39 = arith.subf %neg3A_38, %gather3A_33 : vector<16xf32>
    %mul3A_40 = arith.mulf %neg3A_39, %gather3A_34 : vector<16xf32>
    %swap3A_41 = arith.constant 16 : index
    %swap3A_42 = tpu.vector_load %arg13[%swap3A_41] {strides = array<i32>} : memref<512xf32, #tpu.memory_space<vmem>>, vector<16xf32>,
    tpu.vector_store %arg13[%swap3A_41], %mul3A_40 {strides = array<i32>} : memref<512xf32, #tpu.memory_space<vmem>>, vector<16xf32>,
    %get3A_43 = arith.constant 32 : index
    %get3A_44 = tpu.vector_load %arg11[%get3A_43] {strides = array<i32>} : memref<512xi32, #tpu.memory_space<vmem>>, vector<16xi32>,
    %gather3A_45 = tpu.vector_load_idx %arg9[%get3A_44] : memref<64xf32, #tpu.memory_space<vmem>>[vector<16xi32>], vector<16xf32>,
    %gather3A_46 = tpu.vector_load_idx %arg10[%get3A_44] : memref<64xf32, #tpu.memory_space<vmem>>[vector<16xi32>], vector<16xf32>,
    %swap3A_47 = arith.constant 32 : index
    %swap3A_48 = tpu.vector_load %arg12[%swap3A_47] {strides = array<i32>} : memref<512xf32, #tpu.memory_space<vmem>>, vector<16xf32>,
    tpu.vector_store %arg12[%swap3A_47], %gather3A_46 {strides = array<i32>} : memref<512xf32, #tpu.memory_space<vmem>>, vector<16xf32>,
    %neg3A_49 = arith.constant 0.000000e+00 : f32
    %neg3A_50 = vector.broadcast %neg3A_49 : f32 to vector<16xf32>
    %neg3A_51 = arith.subf %neg3A_50, %gather3A_45 : vector<16xf32>
    %mul3A_52 = arith.mulf %neg3A_51, %gather3A_46 : vector<16xf32>
    %swap3A_53 = arith.constant 32 : index
    %swap3A_54 = tpu.vector_load %arg13[%swap3A_53] {strides = array<i32>} : memref<512xf32, #tpu.memory_space<vmem>>, vector<16xf32>,
    tpu.vector_store %arg13[%swap3A_53], %mul3A_52 {strides = array<i32>} : memref<512xf32, #tpu.memory_space<vmem>>, vector<16xf32>,
    %get3A_55 = arith.constant 48 : index
    %get3A_56 = tpu.vector_load %arg11[%get3A_55] {strides = array<i32>} : memref<512xi32, #tpu.memory_space<vmem>>, vector<16xi32>,
    %gather3A_57 = tpu.vector_load_idx %arg9[%get3A_56] : memref<64xf32, #tpu.memory_space<vmem>>[vector<16xi32>], vector<16xf32>,
    %gather3A_58 = tpu.vector_load_idx %arg10[%get3A_56] : memref<64xf32, #tpu.memory_space<vmem>>[vector<16xi32>], vector<16xf32>,
    %swap3A_59 = arith.constant 48 : index
    %swap3A_60 = tpu.vector_load %arg12[%swap3A_59] {strides = array<i32>} : memref<512xf32, #tpu.memory_space<vmem>>, vector<16xf32>,
    tpu.vector_store %arg12[%swap3A_59], %gather3A_58 {strides = array<i32>} : memref<512xf32, #tpu.memory_space<vmem>>, vector<16xf32>,
    %neg3A_61 = arith.constant 0.000000e+00 : f32
    %neg3A_62 = vector.broadcast %neg3A_61 : f32 to vector<16xf32>
    %neg3A_63 = arith.subf %neg3A_62, %gather3A_57 : vector<16xf32>
    %mul3A_64 = arith.mulf %neg3A_63, %gather3A_58 : vector<16xf32>
    %swap3A_65 = arith.constant 48 : index
    %swap3A_66 = tpu.vector_load %arg13[%swap3A_65] {strides = array<i32>} : memref<512xf32, #tpu.memory_space<vmem>>, vector<16xf32>,
    tpu.vector_store %arg13[%swap3A_65], %mul3A_64 {strides = array<i32>} : memref<512xf32, #tpu.memory_space<vmem>>, vector<16xf32>,
    %get3A_67 = arith.constant 64 : index
    %get3A_68 = tpu.vector_load %arg11[%get3A_67] {strides = array<i32>} : memref<512xi32, #tpu.memory_space<vmem>>, vector<16xi32>,
    %gather3A_69 = tpu.vector_load_idx %arg9[%get3A_68] : memref<64xf32, #tpu.memory_space<vmem>>[vector<16xi32>], vector<16xf32>,
    %gather3A_70 = tpu.vector_load_idx %arg10[%get3A_68] : memref<64xf32, #tpu.memory_space<vmem>>[vector<16xi32>], vector<16xf32>,
    %swap3A_71 = arith.constant 64 : index
    %swap3A_72 = tpu.vector_load %arg12[%swap3A_71] {strides = array<i32>} : memref<512xf32, #tpu.memory_space<vmem>>, vector<16xf32>,
    tpu.vector_store %arg12[%swap3A_71], %gather3A_70 {strides = array<i32>} : memref<512xf32, #tpu.memory_space<vmem>>, vector<16xf32>,
    %neg3A_73 = arith.constant 0.000000e+00 : f32
    %neg3A_74 = vector.broadcast %neg3A_73 : f32 to vector<16xf32>
    %neg3A_75 = arith.subf %neg3A_74, %gather3A_69 : vector<16xf32>
    %mul3A_76 = arith.mulf %neg3A_75, %gather3A_70 : vector<16xf32>
    %swap3A_77 = arith.constant 64 : index
    %swap3A_78 = tpu.vector_load %arg13[%swap3A_77] {strides = array<i32>} : memref<512xf32, #tpu.memory_space<vmem>>, vector<16xf32>,
    tpu.vector_store %arg13[%swap3A_77], %mul3A_76 {strides = array<i32>} : memref<512xf32, #tpu.memory_space<vmem>>, vector<16xf32>,
    %get3A_79 = arith.constant 80 : index
    %get3A_80 = tpu.vector_load %arg11[%get3A_79] {strides = array<i32>} : memref<512xi32, #tpu.memory_space<vmem>>, vector<16xi32>,
    %gather3A_81 = tpu.vector_load_idx %arg9[%get3A_80] : memref<64xf32, #tpu.memory_space<vmem>>[vector<16xi32>], vector<16xf32>,
    %gather3A_82 = tpu.vector_load_idx %arg10[%get3A_80] : memref<64xf32, #tpu.memory_space<vmem>>[vector<16xi32>], vector<16xf32>,
    %swap3A_83 = arith.constant 80 : index
    %swap3A_84 = tpu.vector_load %arg12[%swap3A_83] {strides = array<i32>} : memref<512xf32, #tpu.memory_space<vmem>>, vector<16xf32>,
    tpu.vector_store %arg12[%swap3A_83], %gather3A_82 {strides = array<i32>} : memref<512xf32, #tpu.memory_space<vmem>>, vector<16xf32>,
    %neg3A_85 = arith.constant 0.000000e+00 : f32
    %neg3A_86 = vector.broadcast %neg3A_85 : f32 to vector<16xf32>
    %neg3A_87 = arith.subf %neg3A_86, %gather3A_81 : vector<16xf32>
    %mul3A_88 = arith.mulf %neg3A_87, %gather3A_82 : vector<16xf32>
    %swap3A_89 = arith.constant 80 : index
    %swap3A_90 = tpu.vector_load %arg13[%swap3A_89] {strides = array<i32>} : memref<512xf32, #tpu.memory_space<vmem>>, vector<16xf32>,
    tpu.vector_store %arg13[%swap3A_89], %mul3A_88 {strides = array<i32>} : memref<512xf32, #tpu.memory_space<vmem>>, vector<16xf32>,
    %get3A_91 = arith.constant 96 : index
    %get3A_92 = tpu.vector_load %arg11[%get3A_91] {strides = array<i32>} : memref<512xi32, #tpu.memory_space<vmem>>, vector<16xi32>,
    %gather3A_93 = tpu.vector_load_idx %arg9[%get3A_92] : memref<64xf32, #tpu.memory_space<vmem>>[vector<16xi32>], vector<16xf32>,
    %gather3A_94 = tpu.vector_load_idx %arg10[%get3A_92] : memref<64xf32, #tpu.memory_space<vmem>>[vector<16xi32>], vector<16xf32>,
    %swap3A_95 = arith.constant 96 : index
    %swap3A_96 = tpu.vector_load %arg12[%swap3A_95] {strides = array<i32>} : memref<512xf32, #tpu.memory_space<vmem>>, vector<16xf32>,
    tpu.vector_store %arg12[%swap3A_95], %gather3A_94 {strides = array<i32>} : memref<512xf32, #tpu.memory_space<vmem>>, vector<16xf32>,
    %neg3A_97 = arith.constant 0.000000e+00 : f32
    %neg3A_98 = vector.broadcast %neg3A_97 : f32 to vector<16xf32>
    %neg3A_99 = arith.subf %neg3A_98, %gather3A_93 : vector<16xf32>
    %mul3A_100 = arith.mulf %neg3A_99, %gather3A_94 : vector<16xf32>
    %swap3A_101 = arith.constant 96 : index
    %swap3A_102 = tpu.vector_load %arg13[%swap3A_101] {strides = array<i32>} : memref<512xf32, #tpu.memory_space<vmem>>, vector<16xf32>,
    tpu.vector_store %arg13[%swap3A_101], %mul3A_100 {strides = array<i32>} : memref<512xf32, #tpu.memory_space<vmem>>, vector<16xf32>,
    %get3A_103 = arith.constant 112 : index
    %get3A_104 = tpu.vector_load %arg11[%get3A_103] {strides = array<i32>} : memref<512xi32, #tpu.memory_space<vmem>>, vector<16xi32>,
    %gather3A_105 = tpu.vector_load_idx %arg9[%get3A_104] : memref<64xf32, #tpu.memory_space<vmem>>[vector<16xi32>], vector<16xf32>,
    %gather3A_106 = tpu.vector_load_idx %arg10[%get3A_104] : memref<64xf32, #tpu.memory_space<vmem>>[vector<16xi32>], vector<16xf32>,
    %swap3A_107 = arith.constant 112 : index
    %swap3A_108 = tpu.vector_load %arg12[%swap3A_107] {strides = array<i32>} : memref<512xf32, #tpu.memory_space<vmem>>, vector<16xf32>,
    tpu.vector_store %arg12[%swap3A_107], %gather3A_106 {strides = array<i32>} : memref<512xf32, #tpu.memory_space<vmem>>, vector<16xf32>,
    %neg3A_109 = arith.constant 0.000000e+00 : f32
    %neg3A_110 = vector.broadcast %neg3A_109 : f32 to vector<16xf32>
    %neg3A_111 = arith.subf %neg3A_110, %gather3A_105 : vector<16xf32>
    %mul3A_112 = arith.mulf %neg3A_111, %gather3A_106 : vector<16xf32>
    %swap3A_113 = arith.constant 112 : index
    %swap3A_114 = tpu.vector_load %arg13[%swap3A_113] {strides = array<i32>} : memref<512xf32, #tpu.memory_space<vmem>>, vector<16xf32>,
    tpu.vector_store %arg13[%swap3A_113], %mul3A_112 {strides = array<i32>} : memref<512xf32, #tpu.memory_space<vmem>>, vector<16xf32>,
    %get3A_115 = arith.constant 128 : index
    %get3A_116 = tpu.vector_load %arg11[%get3A_115] {strides = array<i32>} : memref<512xi32, #tpu.memory_space<vmem>>, vector<16xi32>,
    %gather3A_117 = tpu.vector_load_idx %arg9[%get3A_116] : memref<64xf32, #tpu.memory_space<vmem>>[vector<16xi32>], vector<16xf32>,
    %gather3A_118 = tpu.vector_load_idx %arg10[%get3A_116] : memref<64xf32, #tpu.memory_space<vmem>>[vector<16xi32>], vector<16xf32>,
    %swap3A_119 = arith.constant 128 : index
    %swap3A_120 = tpu.vector_load %arg12[%swap3A_119] {strides = array<i32>} : memref<512xf32, #tpu.memory_space<vmem>>, vector<16xf32>,
    tpu.vector_store %arg12[%swap3A_119], %gather3A_118 {strides = array<i32>} : memref<512xf32, #tpu.memory_space<vmem>>, vector<16xf32>,
    %neg3A_121 = arith.constant 0.000000e+00 : f32
    %neg3A_122 = vector.broadcast %neg3A_121 : f32 to vector<16xf32>
    %neg3A_123 = arith.subf %neg3A_122, %gather3A_117 : vector<16xf32>
    %mul3A_124 = arith.mulf %neg3A_123, %gather3A_118 : vector<16xf32>
    %swap3A_125 = arith.constant 128 : index
    %swap3A_126 = tpu.vector_load %arg13[%swap3A_125] {strides = array<i32>} : memref<512xf32, #tpu.memory_space<vmem>>, vector<16xf32>,
    tpu.vector_store %arg13[%swap3A_125], %mul3A_124 {strides = array<i32>} : memref<512xf32, #tpu.memory_space<vmem>>, vector<16xf32>,
    %get3A_127 = arith.constant 144 : index
    %get3A_128 = tpu.vector_load %arg11[%get3A_127] {strides = array<i32>} : memref<512xi32, #tpu.memory_space<vmem>>, vector<16xi32>,
    %gather3A_129 = tpu.vector_load_idx %arg9[%get3A_128] : memref<64xf32, #tpu.memory_space<vmem>>[vector<16xi32>], vector<16xf32>,
    %gather3A_130 = tpu.vector_load_idx %arg10[%get3A_128] : memref<64xf32, #tpu.memory_space<vmem>>[vector<16xi32>], vector<16xf32>,
    %swap3A_131 = arith.constant 144 : index
    %swap3A_132 = tpu.vector_load %arg12[%swap3A_131] {strides = array<i32>} : memref<512xf32, #tpu.memory_space<vmem>>, vector<16xf32>,
    tpu.vector_store %arg12[%swap3A_131], %gather3A_130 {strides = array<i32>} : memref<512xf32, #tpu.memory_space<vmem>>, vector<16xf32>,
    %neg3A_133 = arith.constant 0.000000e+00 : f32
    %neg3A_134 = vector.broadcast %neg3A_133 : f32 to vector<16xf32>
    %neg3A_135 = arith.subf %neg3A_134, %gather3A_129 : vector<16xf32>
    %mul3A_136 = arith.mulf %neg3A_135, %gather3A_130 : vector<16xf32>
    %swap3A_137 = arith.constant 144 : index
    %swap3A_138 = tpu.vector_load %arg13[%swap3A_137] {strides = array<i32>} : memref<512xf32, #tpu.memory_space<vmem>>, vector<16xf32>,
    tpu.vector_store %arg13[%swap3A_137], %mul3A_136 {strides = array<i32>} : memref<512xf32, #tpu.memory_space<vmem>>, vector<16xf32>,
    %get3A_139 = arith.constant 160 : index
    %get3A_140 = tpu.vector_load %arg11[%get3A_139] {strides = array<i32>} : memref<512xi32, #tpu.memory_space<vmem>>, vector<16xi32>,
    %gather3A_141 = tpu.vector_load_idx %arg9[%get3A_140] : memref<64xf32, #tpu.memory_space<vmem>>[vector<16xi32>], vector<16xf32>,
    %gather3A_142 = tpu.vector_load_idx %arg10[%get3A_140] : memref<64xf32, #tpu.memory_space<vmem>>[vector<16xi32>], vector<16xf32>,
    %swap3A_143 = arith.constant 160 : index
    %swap3A_144 = tpu.vector_load %arg12[%swap3A_143] {strides = array<i32>} : memref<512xf32, #tpu.memory_space<vmem>>, vector<16xf32>,
    tpu.vector_store %arg12[%swap3A_143], %gather3A_142 {strides = array<i32>} : memref<512xf32, #tpu.memory_space<vmem>>, vector<16xf32>,
    %neg3A_145 = arith.constant 0.000000e+00 : f32
    %neg3A_146 = vector.broadcast %neg3A_145 : f32 to vector<16xf32>
    %neg3A_147 = arith.subf %neg3A_146, %gather3A_141 : vector<16xf32>
    %mul3A_148 = arith.mulf %neg3A_147, %gather3A_142 : vector<16xf32>
    %swap3A_149 = arith.constant 160 : index
    %swap3A_150 = tpu.vector_load %arg13[%swap3A_149] {strides = array<i32>} : memref<512xf32, #tpu.memory_space<vmem>>, vector<16xf32>,
    tpu.vector_store %arg13[%swap3A_149], %mul3A_148 {strides = array<i32>} : memref<512xf32, #tpu.memory_space<vmem>>, vector<16xf32>,
    %get3A_151 = arith.constant 176 : index
    %get3A_152 = tpu.vector_load %arg11[%get3A_151] {strides = array<i32>} : memref<512xi32, #tpu.memory_space<vmem>>, vector<16xi32>,
    %gather3A_153 = tpu.vector_load_idx %arg9[%get3A_152] : memref<64xf32, #tpu.memory_space<vmem>>[vector<16xi32>], vector<16xf32>,
    %gather3A_154 = tpu.vector_load_idx %arg10[%get3A_152] : memref<64xf32, #tpu.memory_space<vmem>>[vector<16xi32>], vector<16xf32>,
    %swap3A_155 = arith.constant 176 : index
    %swap3A_156 = tpu.vector_load %arg12[%swap3A_155] {strides = array<i32>} : memref<512xf32, #tpu.memory_space<vmem>>, vector<16xf32>,
    tpu.vector_store %arg12[%swap3A_155], %gather3A_154 {strides = array<i32>} : memref<512xf32, #tpu.memory_space<vmem>>, vector<16xf32>,
    %neg3A_157 = arith.constant 0.000000e+00 : f32
    %neg3A_158 = vector.broadcast %neg3A_157 : f32 to vector<16xf32>
    %neg3A_159 = arith.subf %neg3A_158, %gather3A_153 : vector<16xf32>
    %mul3A_160 = arith.mulf %neg3A_159, %gather3A_154 : vector<16xf32>
    %swap3A_161 = arith.constant 176 : index
    %swap3A_162 = tpu.vector_load %arg13[%swap3A_161] {strides = array<i32>} : memref<512xf32, #tpu.memory_space<vmem>>, vector<16xf32>,
    tpu.vector_store %arg13[%swap3A_161], %mul3A_160 {strides = array<i32>} : memref<512xf32, #tpu.memory_space<vmem>>, vector<16xf32>,
    %get3A_163 = arith.constant 192 : index
    %get3A_164 = tpu.vector_load %arg11[%get3A_163] {strides = array<i32>} : memref<512xi32, #tpu.memory_space<vmem>>, vector<16xi32>,
    %gather3A_165 = tpu.vector_load_idx %arg9[%get3A_164] : memref<64xf32, #tpu.memory_space<vmem>>[vector<16xi32>], vector<16xf32>,
    %gather3A_166 = tpu.vector_load_idx %arg10[%get3A_164] : memref<64xf32, #tpu.memory_space<vmem>>[vector<16xi32>], vector<16xf32>,
    %swap3A_167 = arith.constant 192 : index
    %swap3A_168 = tpu.vector_load %arg12[%swap3A_167] {strides = array<i32>} : memref<512xf32, #tpu.memory_space<vmem>>, vector<16xf32>,
    tpu.vector_store %arg12[%swap3A_167], %gather3A_166 {strides = array<i32>} : memref<512xf32, #tpu.memory_space<vmem>>, vector<16xf32>,
    %neg3A_169 = arith.constant 0.000000e+00 : f32
    %neg3A_170 = vector.broadcast %neg3A_169 : f32 to vector<16xf32>
    %neg3A_171 = arith.subf %neg3A_170, %gather3A_165 : vector<16xf32>
    %mul3A_172 = arith.mulf %neg3A_171, %gather3A_166 : vector<16xf32>
    %swap3A_173 = arith.constant 192 : index
    %swap3A_174 = tpu.vector_load %arg13[%swap3A_173] {strides = array<i32>} : memref<512xf32, #tpu.memory_space<vmem>>, vector<16xf32>,
    tpu.vector_store %arg13[%swap3A_173], %mul3A_172 {strides = array<i32>} : memref<512xf32, #tpu.memory_space<vmem>>, vector<16xf32>,
    %get3A_175 = arith.constant 208 : index
    %get3A_176 = tpu.vector_load %arg11[%get3A_175] {strides = array<i32>} : memref<512xi32, #tpu.memory_space<vmem>>, vector<16xi32>,
    %gather3A_177 = tpu.vector_load_idx %arg9[%get3A_176] : memref<64xf32, #tpu.memory_space<vmem>>[vector<16xi32>], vector<16xf32>,
    %gather3A_178 = tpu.vector_load_idx %arg10[%get3A_176] : memref<64xf32, #tpu.memory_space<vmem>>[vector<16xi32>], vector<16xf32>,
    %swap3A_179 = arith.constant 208 : index
    %swap3A_180 = tpu.vector_load %arg12[%swap3A_179] {strides = array<i32>} : memref<512xf32, #tpu.memory_space<vmem>>, vector<16xf32>,
    tpu.vector_store %arg12[%swap3A_179], %gather3A_178 {strides = array<i32>} : memref<512xf32, #tpu.memory_space<vmem>>, vector<16xf32>,
    %neg3A_181 = arith.constant 0.000000e+00 : f32
    %neg3A_182 = vector.broadcast %neg3A_181 : f32 to vector<16xf32>
    %neg3A_183 = arith.subf %neg3A_182, %gather3A_177 : vector<16xf32>
    %mul3A_184 = arith.mulf %neg3A_183, %gather3A_178 : vector<16xf32>
    %swap3A_185 = arith.constant 208 : index
    %swap3A_186 = tpu.vector_load %arg13[%swap3A_185] {strides = array<i32>} : memref<512xf32, #tpu.memory_space<vmem>>, vector<16xf32>,
    tpu.vector_store %arg13[%swap3A_185], %mul3A_184 {strides = array<i32>} : memref<512xf32, #tpu.memory_space<vmem>>, vector<16xf32>,
    %get3A_187 = arith.constant 224 : index
    %get3A_188 = tpu.vector_load %arg11[%get3A_187] {strides = array<i32>} : memref<512xi32, #tpu.memory_space<vmem>>, vector<16xi32>,
    %gather3A_189 = tpu.vector_load_idx %arg9[%get3A_188] : memref<64xf32, #tpu.memory_space<vmem>>[vector<16xi32>], vector<16xf32>,
    %gather3A_190 = tpu.vector_load_idx %arg10[%get3A_188] : memref<64xf32, #tpu.memory_space<vmem>>[vector<16xi32>], vector<16xf32>,
    %swap3A_191 = arith.constant 224 : index
    %swap3A_192 = tpu.vector_load %arg12[%swap3A_191] {strides = array<i32>} : memref<512xf32, #tpu.memory_space<vmem>>, vector<16xf32>,
    tpu.vector_store %arg12[%swap3A_191], %gather3A_190 {strides = array<i32>} : memref<512xf32, #tpu.memory_space<vmem>>, vector<16xf32>,
    %neg3A_193 = arith.constant 0.000000e+00 : f32
    %neg3A_194 = vector.broadcast %neg3A_193 : f32 to vector<16xf32>
    %neg3A_195 = arith.subf %neg3A_194, %gather3A_189 : vector<16xf32>
    %mul3A_196 = arith.mulf %neg3A_195, %gather3A_190 : vector<16xf32>
    %swap3A_197 = arith.constant 224 : index
    %swap3A_198 = tpu.vector_load %arg13[%swap3A_197] {strides = array<i32>} : memref<512xf32, #tpu.memory_space<vmem>>, vector<16xf32>,
    tpu.vector_store %arg13[%swap3A_197], %mul3A_196 {strides = array<i32>} : memref<512xf32, #tpu.memory_space<vmem>>, vector<16xf32>,
    %get3A_199 = arith.constant 240 : index
    %get3A_200 = tpu.vector_load %arg11[%get3A_199] {strides = array<i32>} : memref<512xi32, #tpu.memory_space<vmem>>, vector<16xi32>,
    %gather3A_201 = tpu.vector_load_idx %arg9[%get3A_200] : memref<64xf32, #tpu.memory_space<vmem>>[vector<16xi32>], vector<16xf32>,
    %gather3A_202 = tpu.vector_load_idx %arg10[%get3A_200] : memref<64xf32, #tpu.memory_space<vmem>>[vector<16xi32>], vector<16xf32>,
    %swap3A_203 = arith.constant 240 : index
    %swap3A_204 = tpu.vector_load %arg12[%swap3A_203] {strides = array<i32>} : memref<512xf32, #tpu.memory_space<vmem>>, vector<16xf32>,
    tpu.vector_store %arg12[%swap3A_203], %gather3A_202 {strides = array<i32>} : memref<512xf32, #tpu.memory_space<vmem>>, vector<16xf32>,
    %neg3A_205 = arith.constant 0.000000e+00 : f32
    %neg3A_206 = vector.broadcast %neg3A_205 : f32 to vector<16xf32>
    %neg3A_207 = arith.subf %neg3A_206, %gather3A_201 : vector<16xf32>
    %mul3A_208 = arith.mulf %neg3A_207, %gather3A_202 : vector<16xf32>
    %swap3A_209 = arith.constant 240 : index
    %swap3A_210 = tpu.vector_load %arg13[%swap3A_209] {strides = array<i32>} : memref<512xf32, #tpu.memory_space<vmem>>, vector<16xf32>,
    tpu.vector_store %arg13[%swap3A_209], %mul3A_208 {strides = array<i32>} : memref<512xf32, #tpu.memory_space<vmem>>, vector<16xf32>,
    %get3A_211 = arith.constant 256 : index
    %get3A_212 = tpu.vector_load %arg11[%get3A_211] {strides = array<i32>} : memref<512xi32, #tpu.memory_space<vmem>>, vector<16xi32>,
    %gather3A_213 = tpu.vector_load_idx %arg9[%get3A_212] : memref<64xf32, #tpu.memory_space<vmem>>[vector<16xi32>], vector<16xf32>,
    %gather3A_214 = tpu.vector_load_idx %arg10[%get3A_212] : memref<64xf32, #tpu.memory_space<vmem>>[vector<16xi32>], vector<16xf32>,
    %swap3A_215 = arith.constant 256 : index
    %swap3A_216 = tpu.vector_load %arg12[%swap3A_215] {strides = array<i32>} : memref<512xf32, #tpu.memory_space<vmem>>, vector<16xf32>,
    tpu.vector_store %arg12[%swap3A_215], %gather3A_214 {strides = array<i32>} : memref<512xf32, #tpu.memory_space<vmem>>, vector<16xf32>,
    %neg3A_217 = arith.constant 0.000000e+00 : f32
    %neg3A_218 = vector.broadcast %neg3A_217 : f32 to vector<16xf32>
    %neg3A_219 = arith.subf %neg3A_218, %gather3A_213 : vector<16xf32>
    %mul3A_220 = arith.mulf %neg3A_219, %gather3A_214 : vector<16xf32>
    %swap3A_221 = arith.constant 256 : index
    %swap3A_222 = tpu.vector_load %arg13[%swap3A_221] {strides = array<i32>} : memref<512xf32, #tpu.memory_space<vmem>>, vector<16xf32>,
    tpu.vector_store %arg13[%swap3A_221], %mul3A_220 {strides = array<i32>} : memref<512xf32, #tpu.memory_space<vmem>>, vector<16xf32>,
    %get3A_223 = arith.constant 272 : index
    %get3A_224 = tpu.vector_load %arg11[%get3A_223] {strides = array<i32>} : memref<512xi32, #tpu.memory_space<vmem>>, vector<16xi32>,
    %gather3A_225 = tpu.vector_load_idx %arg9[%get3A_224] : memref<64xf32, #tpu.memory_space<vmem>>[vector<16xi32>], vector<16xf32>,
    %gather3A_226 = tpu.vector_load_idx %arg10[%get3A_224] : memref<64xf32, #tpu.memory_space<vmem>>[vector<16xi32>], vector<16xf32>,
    %swap3A_227 = arith.constant 272 : index
    %swap3A_228 = tpu.vector_load %arg12[%swap3A_227] {strides = array<i32>} : memref<512xf32, #tpu.memory_space<vmem>>, vector<16xf32>,
    tpu.vector_store %arg12[%swap3A_227], %gather3A_226 {strides = array<i32>} : memref<512xf32, #tpu.memory_space<vmem>>, vector<16xf32>,
    %neg3A_229 = arith.constant 0.000000e+00 : f32
    %neg3A_230 = vector.broadcast %neg3A_229 : f32 to vector<16xf32>
    %neg3A_231 = arith.subf %neg3A_230, %gather3A_225 : vector<16xf32>
    %mul3A_232 = arith.mulf %neg3A_231, %gather3A_226 : vector<16xf32>
    %swap3A_233 = arith.constant 272 : index
    %swap3A_234 = tpu.vector_load %arg13[%swap3A_233] {strides = array<i32>} : memref<512xf32, #tpu.memory_space<vmem>>, vector<16xf32>,
    tpu.vector_store %arg13[%swap3A_233], %mul3A_232 {strides = array<i32>} : memref<512xf32, #tpu.memory_space<vmem>>, vector<16xf32>,
    %get3A_235 = arith.constant 288 : index
    %get3A_236 = tpu.vector_load %arg11[%get3A_235] {strides = array<i32>} : memref<512xi32, #tpu.memory_space<vmem>>, vector<16xi32>,
    %gather3A_237 = tpu.vector_load_idx %arg9[%get3A_236] : memref<64xf32, #tpu.memory_space<vmem>>[vector<16xi32>], vector<16xf32>,
    %gather3A_238 = tpu.vector_load_idx %arg10[%get3A_236] : memref<64xf32, #tpu.memory_space<vmem>>[vector<16xi32>], vector<16xf32>,
    %swap3A_239 = arith.constant 288 : index
    %swap3A_240 = tpu.vector_load %arg12[%swap3A_239] {strides = array<i32>} : memref<512xf32, #tpu.memory_space<vmem>>, vector<16xf32>,
    tpu.vector_store %arg12[%swap3A_239], %gather3A_238 {strides = array<i32>} : memref<512xf32, #tpu.memory_space<vmem>>, vector<16xf32>,
    %neg3A_241 = arith.constant 0.000000e+00 : f32
    %neg3A_242 = vector.broadcast %neg3A_241 : f32 to vector<16xf32>
    %neg3A_243 = arith.subf %neg3A_242, %gather3A_237 : vector<16xf32>
    %mul3A_244 = arith.mulf %neg3A_243, %gather3A_238 : vector<16xf32>
    %swap3A_245 = arith.constant 288 : index
    %swap3A_246 = tpu.vector_load %arg13[%swap3A_245] {strides = array<i32>} : memref<512xf32, #tpu.memory_space<vmem>>, vector<16xf32>,
    tpu.vector_store %arg13[%swap3A_245], %mul3A_244 {strides = array<i32>} : memref<512xf32, #tpu.memory_space<vmem>>, vector<16xf32>,
    %get3A_247 = arith.constant 304 : index
    %get3A_248 = tpu.vector_load %arg11[%get3A_247] {strides = array<i32>} : memref<512xi32, #tpu.memory_space<vmem>>, vector<16xi32>,
    %gather3A_249 = tpu.vector_load_idx %arg9[%get3A_248] : memref<64xf32, #tpu.memory_space<vmem>>[vector<16xi32>], vector<16xf32>,
    %gather3A_250 = tpu.vector_load_idx %arg10[%get3A_248] : memref<64xf32, #tpu.memory_space<vmem>>[vector<16xi32>], vector<16xf32>,
    %swap3A_251 = arith.constant 304 : index
    %swap3A_252 = tpu.vector_load %arg12[%swap3A_251] {strides = array<i32>} : memref<512xf32, #tpu.memory_space<vmem>>, vector<16xf32>,
    tpu.vector_store %arg12[%swap3A_251], %gather3A_250 {strides = array<i32>} : memref<512xf32, #tpu.memory_space<vmem>>, vector<16xf32>,
    %neg3A_253 = arith.constant 0.000000e+00 : f32
    %neg3A_254 = vector.broadcast %neg3A_253 : f32 to vector<16xf32>
    %neg3A_255 = arith.subf %neg3A_254, %gather3A_249 : vector<16xf32>
    %mul3A_256 = arith.mulf %neg3A_255, %gather3A_250 : vector<16xf32>
    %swap3A_257 = arith.constant 304 : index
    %swap3A_258 = tpu.vector_load %arg13[%swap3A_257] {strides = array<i32>} : memref<512xf32, #tpu.memory_space<vmem>>, vector<16xf32>,
    tpu.vector_store %arg13[%swap3A_257], %mul3A_256 {strides = array<i32>} : memref<512xf32, #tpu.memory_space<vmem>>, vector<16xf32>,
    %get3A_259 = arith.constant 320 : index
    %get3A_260 = tpu.vector_load %arg11[%get3A_259] {strides = array<i32>} : memref<512xi32, #tpu.memory_space<vmem>>, vector<16xi32>,
    %gather3A_261 = tpu.vector_load_idx %arg9[%get3A_260] : memref<64xf32, #tpu.memory_space<vmem>>[vector<16xi32>], vector<16xf32>,
    %gather3A_262 = tpu.vector_load_idx %arg10[%get3A_260] : memref<64xf32, #tpu.memory_space<vmem>>[vector<16xi32>], vector<16xf32>,
    %swap3A_263 = arith.constant 320 : index
    %swap3A_264 = tpu.vector_load %arg12[%swap3A_263] {strides = array<i32>} : memref<512xf32, #tpu.memory_space<vmem>>, vector<16xf32>,
    tpu.vector_store %arg12[%swap3A_263], %gather3A_262 {strides = array<i32>} : memref<512xf32, #tpu.memory_space<vmem>>, vector<16xf32>,
    %neg3A_265 = arith.constant 0.000000e+00 : f32
    %neg3A_266 = vector.broadcast %neg3A_265 : f32 to vector<16xf32>
    %neg3A_267 = arith.subf %neg3A_266, %gather3A_261 : vector<16xf32>
    %mul3A_268 = arith.mulf %neg3A_267, %gather3A_262 : vector<16xf32>
    %swap3A_269 = arith.constant 320 : index
    %swap3A_270 = tpu.vector_load %arg13[%swap3A_269] {strides = array<i32>} : memref<512xf32, #tpu.memory_space<vmem>>, vector<16xf32>,
    tpu.vector_store %arg13[%swap3A_269], %mul3A_268 {strides = array<i32>} : memref<512xf32, #tpu.memory_space<vmem>>, vector<16xf32>,
    %get3A_271 = arith.constant 336 : index
    %get3A_272 = tpu.vector_load %arg11[%get3A_271] {strides = array<i32>} : memref<512xi32, #tpu.memory_space<vmem>>, vector<16xi32>,
    %gather3A_273 = tpu.vector_load_idx %arg9[%get3A_272] : memref<64xf32, #tpu.memory_space<vmem>>[vector<16xi32>], vector<16xf32>,
    %gather3A_274 = tpu.vector_load_idx %arg10[%get3A_272] : memref<64xf32, #tpu.memory_space<vmem>>[vector<16xi32>], vector<16xf32>,
    %swap3A_275 = arith.constant 336 : index
    %swap3A_276 = tpu.vector_load %arg12[%swap3A_275] {strides = array<i32>} : memref<512xf32, #tpu.memory_space<vmem>>, vector<16xf32>,
    tpu.vector_store %arg12[%swap3A_275], %gather3A_274 {strides = array<i32>} : memref<512xf32, #tpu.memory_space<vmem>>, vector<16xf32>,
    %neg3A_277 = arith.constant 0.000000e+00 : f32
    %neg3A_278 = vector.broadcast %neg3A_277 : f32 to vector<16xf32>
    %neg3A_279 = arith.subf %neg3A_278, %gather3A_273 : vector<16xf32>
    %mul3A_280 = arith.mulf %neg3A_279, %gather3A_274 : vector<16xf32>
    %swap3A_281 = arith.constant 336 : index
    %swap3A_282 = tpu.vector_load %arg13[%swap3A_281] {strides = array<i32>} : memref<512xf32, #tpu.memory_space<vmem>>, vector<16xf32>,
    tpu.vector_store %arg13[%swap3A_281], %mul3A_280 {strides = array<i32>} : memref<512xf32, #tpu.memory_space<vmem>>, vector<16xf32>,
    %get3A_283 = arith.constant 352 : index
    %get3A_284 = tpu.vector_load %arg11[%get3A_283] {strides = array<i32>} : memref<512xi32, #tpu.memory_space<vmem>>, vector<16xi32>,
    %gather3A_285 = tpu.vector_load_idx %arg9[%get3A_284] : memref<64xf32, #tpu.memory_space<vmem>>[vector<16xi32>], vector<16xf32>,
    %gather3A_286 = tpu.vector_load_idx %arg10[%get3A_284] : memref<64xf32, #tpu.memory_space<vmem>>[vector<16xi32>], vector<16xf32>,
    %swap3A_287 = arith.constant 352 : index
    %swap3A_288 = tpu.vector_load %arg12[%swap3A_287] {strides = array<i32>} : memref<512xf32, #tpu.memory_space<vmem>>, vector<16xf32>,
    tpu.vector_store %arg12[%swap3A_287], %gather3A_286 {strides = array<i32>} : memref<512xf32, #tpu.memory_space<vmem>>, vector<16xf32>,
    %neg3A_289 = arith.constant 0.000000e+00 : f32
    %neg3A_290 = vector.broadcast %neg3A_289 : f32 to vector<16xf32>
    %neg3A_291 = arith.subf %neg3A_290, %gather3A_285 : vector<16xf32>
    %mul3A_292 = arith.mulf %neg3A_291, %gather3A_286 : vector<16xf32>
    %swap3A_293 = arith.constant 352 : index
    %swap3A_294 = tpu.vector_load %arg13[%swap3A_293] {strides = array<i32>} : memref<512xf32, #tpu.memory_space<vmem>>, vector<16xf32>,
    tpu.vector_store %arg13[%swap3A_293], %mul3A_292 {strides = array<i32>} : memref<512xf32, #tpu.memory_space<vmem>>, vector<16xf32>,
    %get3A_295 = arith.constant 368 : index
    %get3A_296 = tpu.vector_load %arg11[%get3A_295] {strides = array<i32>} : memref<512xi32, #tpu.memory_space<vmem>>, vector<16xi32>,
    %gather3A_297 = tpu.vector_load_idx %arg9[%get3A_296] : memref<64xf32, #tpu.memory_space<vmem>>[vector<16xi32>], vector<16xf32>,
    %gather3A_298 = tpu.vector_load_idx %arg10[%get3A_296] : memref<64xf32, #tpu.memory_space<vmem>>[vector<16xi32>], vector<16xf32>,
    %swap3A_299 = arith.constant 368 : index
    %swap3A_300 = tpu.vector_load %arg12[%swap3A_299] {strides = array<i32>} : memref<512xf32, #tpu.memory_space<vmem>>, vector<16xf32>,
    tpu.vector_store %arg12[%swap3A_299], %gather3A_298 {strides = array<i32>} : memref<512xf32, #tpu.memory_space<vmem>>, vector<16xf32>,
    %neg3A_301 = arith.constant 0.000000e+00 : f32
    %neg3A_302 = vector.broadcast %neg3A_301 : f32 to vector<16xf32>
    %neg3A_303 = arith.subf %neg3A_302, %gather3A_297 : vector<16xf32>
    %mul3A_304 = arith.mulf %neg3A_303, %gather3A_298 : vector<16xf32>
    %swap3A_305 = arith.constant 368 : index
    %swap3A_306 = tpu.vector_load %arg13[%swap3A_305] {strides = array<i32>} : memref<512xf32, #tpu.memory_space<vmem>>, vector<16xf32>,
    tpu.vector_store %arg13[%swap3A_305], %mul3A_304 {strides = array<i32>} : memref<512xf32, #tpu.memory_space<vmem>>, vector<16xf32>,
    %get3A_307 = arith.constant 384 : index
    %get3A_308 = tpu.vector_load %arg11[%get3A_307] {strides = array<i32>} : memref<512xi32, #tpu.memory_space<vmem>>, vector<16xi32>,
    %gather3A_309 = tpu.vector_load_idx %arg9[%get3A_308] : memref<64xf32, #tpu.memory_space<vmem>>[vector<16xi32>], vector<16xf32>,
    %gather3A_310 = tpu.vector_load_idx %arg10[%get3A_308] : memref<64xf32, #tpu.memory_space<vmem>>[vector<16xi32>], vector<16xf32>,
    %swap3A_311 = arith.constant 384 : index
    %swap3A_312 = tpu.vector_load %arg12[%swap3A_311] {strides = array<i32>} : memref<512xf32, #tpu.memory_space<vmem>>, vector<16xf32>,
    tpu.vector_store %arg12[%swap3A_311], %gather3A_310 {strides = array<i32>} : memref<512xf32, #tpu.memory_space<vmem>>, vector<16xf32>,
    %neg3A_313 = arith.constant 0.000000e+00 : f32
    %neg3A_314 = vector.broadcast %neg3A_313 : f32 to vector<16xf32>
    %neg3A_315 = arith.subf %neg3A_314, %gather3A_309 : vector<16xf32>
    %mul3A_316 = arith.mulf %neg3A_315, %gather3A_310 : vector<16xf32>
    %swap3A_317 = arith.constant 384 : index
    %swap3A_318 = tpu.vector_load %arg13[%swap3A_317] {strides = array<i32>} : memref<512xf32, #tpu.memory_space<vmem>>, vector<16xf32>,
    tpu.vector_store %arg13[%swap3A_317], %mul3A_316 {strides = array<i32>} : memref<512xf32, #tpu.memory_space<vmem>>, vector<16xf32>,
    %get3A_319 = arith.constant 400 : index
    %get3A_320 = tpu.vector_load %arg11[%get3A_319] {strides = array<i32>} : memref<512xi32, #tpu.memory_space<vmem>>, vector<16xi32>,
    %gather3A_321 = tpu.vector_load_idx %arg9[%get3A_320] : memref<64xf32, #tpu.memory_space<vmem>>[vector<16xi32>], vector<16xf32>,
    %gather3A_322 = tpu.vector_load_idx %arg10[%get3A_320] : memref<64xf32, #tpu.memory_space<vmem>>[vector<16xi32>], vector<16xf32>,
    %swap3A_323 = arith.constant 400 : index
    %swap3A_324 = tpu.vector_load %arg12[%swap3A_323] {strides = array<i32>} : memref<512xf32, #tpu.memory_space<vmem>>, vector<16xf32>,
    tpu.vector_store %arg12[%swap3A_323], %gather3A_322 {strides = array<i32>} : memref<512xf32, #tpu.memory_space<vmem>>, vector<16xf32>,
    %neg3A_325 = arith.constant 0.000000e+00 : f32
    %neg3A_326 = vector.broadcast %neg3A_325 : f32 to vector<16xf32>
    %neg3A_327 = arith.subf %neg3A_326, %gather3A_321 : vector<16xf32>
    %mul3A_328 = arith.mulf %neg3A_327, %gather3A_322 : vector<16xf32>
    %swap3A_329 = arith.constant 400 : index
    %swap3A_330 = tpu.vector_load %arg13[%swap3A_329] {strides = array<i32>} : memref<512xf32, #tpu.memory_space<vmem>>, vector<16xf32>,
    tpu.vector_store %arg13[%swap3A_329], %mul3A_328 {strides = array<i32>} : memref<512xf32, #tpu.memory_space<vmem>>, vector<16xf32>,
    %get3A_331 = arith.constant 416 : index
    %get3A_332 = tpu.vector_load %arg11[%get3A_331] {strides = array<i32>} : memref<512xi32, #tpu.memory_space<vmem>>, vector<16xi32>,
    %gather3A_333 = tpu.vector_load_idx %arg9[%get3A_332] : memref<64xf32, #tpu.memory_space<vmem>>[vector<16xi32>], vector<16xf32>,
    %gather3A_334 = tpu.vector_load_idx %arg10[%get3A_332] : memref<64xf32, #tpu.memory_space<vmem>>[vector<16xi32>], vector<16xf32>,
    %swap3A_335 = arith.constant 416 : index
    %swap3A_336 = tpu.vector_load %arg12[%swap3A_335] {strides = array<i32>} : memref<512xf32, #tpu.memory_space<vmem>>, vector<16xf32>,
    tpu.vector_store %arg12[%swap3A_335], %gather3A_334 {strides = array<i32>} : memref<512xf32, #tpu.memory_space<vmem>>, vector<16xf32>,
    %neg3A_337 = arith.constant 0.000000e+00 : f32
    %neg3A_338 = vector.broadcast %neg3A_337 : f32 to vector<16xf32>
    %neg3A_339 = arith.subf %neg3A_338, %gather3A_333 : vector<16xf32>
    %mul3A_340 = arith.mulf %neg3A_339, %gather3A_334 : vector<16xf32>
    %swap3A_341 = arith.constant 416 : index
    %swap3A_342 = tpu.vector_load %arg13[%swap3A_341] {strides = array<i32>} : memref<512xf32, #tpu.memory_space<vmem>>, vector<16xf32>,
    tpu.vector_store %arg13[%swap3A_341], %mul3A_340 {strides = array<i32>} : memref<512xf32, #tpu.memory_space<vmem>>, vector<16xf32>,
    %get3A_343 = arith.constant 432 : index
    %get3A_344 = tpu.vector_load %arg11[%get3A_343] {strides = array<i32>} : memref<512xi32, #tpu.memory_space<vmem>>, vector<16xi32>,
    %gather3A_345 = tpu.vector_load_idx %arg9[%get3A_344] : memref<64xf32, #tpu.memory_space<vmem>>[vector<16xi32>], vector<16xf32>,
    %gather3A_346 = tpu.vector_load_idx %arg10[%get3A_344] : memref<64xf32, #tpu.memory_space<vmem>>[vector<16xi32>], vector<16xf32>,
    %swap3A_347 = arith.constant 432 : index
    %swap3A_348 = tpu.vector_load %arg12[%swap3A_347] {strides = array<i32>} : memref<512xf32, #tpu.memory_space<vmem>>, vector<16xf32>,
    tpu.vector_store %arg12[%swap3A_347], %gather3A_346 {strides = array<i32>} : memref<512xf32, #tpu.memory_space<vmem>>, vector<16xf32>,
    %neg3A_349 = arith.constant 0.000000e+00 : f32
    %neg3A_350 = vector.broadcast %neg3A_349 : f32 to vector<16xf32>
    %neg3A_351 = arith.subf %neg3A_350, %gather3A_345 : vector<16xf32>
    %mul3A_352 = arith.mulf %neg3A_351, %gather3A_346 : vector<16xf32>
    %swap3A_353 = arith.constant 432 : index
    %swap3A_354 = tpu.vector_load %arg13[%swap3A_353] {strides = array<i32>} : memref<512xf32, #tpu.memory_space<vmem>>, vector<16xf32>,
    tpu.vector_store %arg13[%swap3A_353], %mul3A_352 {strides = array<i32>} : memref<512xf32, #tpu.memory_space<vmem>>, vector<16xf32>,
    %get3A_355 = arith.constant 448 : index
    %get3A_356 = tpu.vector_load %arg11[%get3A_355] {strides = array<i32>} : memref<512xi32, #tpu.memory_space<vmem>>, vector<16xi32>,
    %gather3A_357 = tpu.vector_load_idx %arg9[%get3A_356] : memref<64xf32, #tpu.memory_space<vmem>>[vector<16xi32>], vector<16xf32>,
    %gather3A_358 = tpu.vector_load_idx %arg10[%get3A_356] : memref<64xf32, #tpu.memory_space<vmem>>[vector<16xi32>], vector<16xf32>,
    %swap3A_359 = arith.constant 448 : index
    %swap3A_360 = tpu.vector_load %arg12[%swap3A_359] {strides = array<i32>} : memref<512xf32, #tpu.memory_space<vmem>>, vector<16xf32>,
    tpu.vector_store %arg12[%swap3A_359], %gather3A_358 {strides = array<i32>} : memref<512xf32, #tpu.memory_space<vmem>>, vector<16xf32>,
    %neg3A_361 = arith.constant 0.000000e+00 : f32
    %neg3A_362 = vector.broadcast %neg3A_361 : f32 to vector<16xf32>
    %neg3A_363 = arith.subf %neg3A_362, %gather3A_357 : vector<16xf32>
    %mul3A_364 = arith.mulf %neg3A_363, %gather3A_358 : vector<16xf32>
    %swap3A_365 = arith.constant 448 : index
    %swap3A_366 = tpu.vector_load %arg13[%swap3A_365] {strides = array<i32>} : memref<512xf32, #tpu.memory_space<vmem>>, vector<16xf32>,
    tpu.vector_store %arg13[%swap3A_365], %mul3A_364 {strides = array<i32>} : memref<512xf32, #tpu.memory_space<vmem>>, vector<16xf32>,
    %get3A_367 = arith.constant 464 : index
    %get3A_368 = tpu.vector_load %arg11[%get3A_367] {strides = array<i32>} : memref<512xi32, #tpu.memory_space<vmem>>, vector<16xi32>,
    %gather3A_369 = tpu.vector_load_idx %arg9[%get3A_368] : memref<64xf32, #tpu.memory_space<vmem>>[vector<16xi32>], vector<16xf32>,
    %gather3A_370 = tpu.vector_load_idx %arg10[%get3A_368] : memref<64xf32, #tpu.memory_space<vmem>>[vector<16xi32>], vector<16xf32>,
    %swap3A_371 = arith.constant 464 : index
    %swap3A_372 = tpu.vector_load %arg12[%swap3A_371] {strides = array<i32>} : memref<512xf32, #tpu.memory_space<vmem>>, vector<16xf32>,
    tpu.vector_store %arg12[%swap3A_371], %gather3A_370 {strides = array<i32>} : memref<512xf32, #tpu.memory_space<vmem>>, vector<16xf32>,
    %neg3A_373 = arith.constant 0.000000e+00 : f32
    %neg3A_374 = vector.broadcast %neg3A_373 : f32 to vector<16xf32>
    %neg3A_375 = arith.subf %neg3A_374, %gather3A_369 : vector<16xf32>
    %mul3A_376 = arith.mulf %neg3A_375, %gather3A_370 : vector<16xf32>
    %swap3A_377 = arith.constant 464 : index
    %swap3A_378 = tpu.vector_load %arg13[%swap3A_377] {strides = array<i32>} : memref<512xf32, #tpu.memory_space<vmem>>, vector<16xf32>,
    tpu.vector_store %arg13[%swap3A_377], %mul3A_376 {strides = array<i32>} : memref<512xf32, #tpu.memory_space<vmem>>, vector<16xf32>,
    %get3A_379 = arith.constant 480 : index
    %get3A_380 = tpu.vector_load %arg11[%get3A_379] {strides = array<i32>} : memref<512xi32, #tpu.memory_space<vmem>>, vector<16xi32>,
    %gather3A_381 = tpu.vector_load_idx %arg9[%get3A_380] : memref<64xf32, #tpu.memory_space<vmem>>[vector<16xi32>], vector<16xf32>,
    %gather3A_382 = tpu.vector_load_idx %arg10[%get3A_380] : memref<64xf32, #tpu.memory_space<vmem>>[vector<16xi32>], vector<16xf32>,
    %swap3A_383 = arith.constant 480 : index
    %swap3A_384 = tpu.vector_load %arg12[%swap3A_383] {strides = array<i32>} : memref<512xf32, #tpu.memory_space<vmem>>, vector<16xf32>,
    tpu.vector_store %arg12[%swap3A_383], %gather3A_382 {strides = array<i32>} : memref<512xf32, #tpu.memory_space<vmem>>, vector<16xf32>,
    %neg3A_385 = arith.constant 0.000000e+00 : f32
    %neg3A_386 = vector.broadcast %neg3A_385 : f32 to vector<16xf32>
    %neg3A_387 = arith.subf %neg3A_386, %gather3A_381 : vector<16xf32>
    %mul3A_388 = arith.mulf %neg3A_387, %gather3A_382 : vector<16xf32>
    %swap3A_389 = arith.constant 480 : index
    %swap3A_390 = tpu.vector_load %arg13[%swap3A_389] {strides = array<i32>} : memref<512xf32, #tpu.memory_space<vmem>>, vector<16xf32>,
    tpu.vector_store %arg13[%swap3A_389], %mul3A_388 {strides = array<i32>} : memref<512xf32, #tpu.memory_space<vmem>>, vector<16xf32>,
    %get3A_391 = arith.constant 496 : index
    %get3A_392 = tpu.vector_load %arg11[%get3A_391] {strides = array<i32>} : memref<512xi32, #tpu.memory_space<vmem>>, vector<16xi32>,
    %gather3A_393 = tpu.vector_load_idx %arg9[%get3A_392] : memref<64xf32, #tpu.memory_space<vmem>>[vector<16xi32>], vector<16xf32>,
    %gather3A_394 = tpu.vector_load_idx %arg10[%get3A_392] : memref<64xf32, #tpu.memory_space<vmem>>[vector<16xi32>], vector<16xf32>,
    %swap3A_395 = arith.constant 496 : index
    %swap3A_396 = tpu.vector_load %arg12[%swap3A_395] {strides = array<i32>} : memref<512xf32, #tpu.memory_space<vmem>>, vector<16xf32>,
    tpu.vector_store %arg12[%swap3A_395], %gather3A_394 {strides = array<i32>} : memref<512xf32, #tpu.memory_space<vmem>>, vector<16xf32>,
    %neg3A_397 = arith.constant 0.000000e+00 : f32
    %neg3A_398 = vector.broadcast %neg3A_397 : f32 to vector<16xf32>
    %neg3A_399 = arith.subf %neg3A_398, %gather3A_393 : vector<16xf32>
    %mul3A_400 = arith.mulf %neg3A_399, %gather3A_394 : vector<16xf32>
    %swap3A_401 = arith.constant 496 : index
    %swap3A_402 = tpu.vector_load %arg13[%swap3A_401] {strides = array<i32>} : memref<512xf32, #tpu.memory_space<vmem>>, vector<16xf32>,
    tpu.vector_store %arg13[%swap3A_401], %mul3A_400 {strides = array<i32>} : memref<512xf32, #tpu.memory_space<vmem>>, vector<16xf32>,
    %iota3A = tpu.iota {dimensions = array<i32: 0>} : vector<16xi32>
    %lt3A = arith.constant 8 : i32
    %lt3A_403 = vector.broadcast %lt3A : i32 to vector<16xi32>
    %lt3A_404 = arith.cmpi slt, %iota3A, %lt3A_403 : vector<16xi32>
    %scan3A = arith.constant 0 : i32
    %scan3A_405 = arith.constant 0 : i32
    %scan3A_406 = arith.constant 8 : i32
    %scan3A_407 = arith.addi %scan3A_405, %scan3A_406 : i32
    %scan3A_408 = arith.constant 1 : i32
    %scan3A_409 = scf.for %scan3A_411 = %scan3A_405 to %scan3A_407 step %scan3A_408 iter_args(%scan3A_412 = %scan3A) -> (i32)  : i32 {
      %mul3A_413 = arith.constant 64 : i32
      %mul3A_414 = arith.muli %scan3A_411, %mul3A_413 : i32
      %add3A_415 = arith.addi %mul3A_2, %mul3A_414 : i32
      %mul3A_416 = arith.constant 200 : i32
      %mul3A_417 = arith.muli %add3A_415, %mul3A_416 : i32
      "tpu.region"() ({
        %run_scoped3A = tpu.sem_alloc : memref<!tpu.dma_semaphore, #tpu.memory_space<semaphore_mem>>
        %dma_start3A = tpu.memref_slice %arg2[%mul3A_417] : memref<3276800xf32, #tpu.memory_space<hbm>> -> memref<12800xf32, #tpu.memory_space<hbm>>
        %dma_start3A_426 = tpu.memref_slice %arg2[%mul3A_417] : memref<3276800xf32, #tpu.memory_space<hbm>> -> memref<12800xf32, #tpu.memory_space<hbm>>
        tpu.enqueue_dma source(%dma_start3A_426 : memref<12800xf32, #tpu.memory_space<hbm>>) target(%arg7 : memref<12800xf32, #tpu.memory_space<vmem>>) target_semaphore(%run_scoped3A : memref<!tpu.dma_semaphore, #tpu.memory_space<semaphore_mem>>)
        %dma_wait3A = tpu.memref_slice %arg2[%mul3A_417] : memref<3276800xf32, #tpu.memory_space<hbm>> -> memref<12800xf32, #tpu.memory_space<hbm>>
        %dma_wait3A_427 = tpu.memref_slice %arg2[%mul3A_417] : memref<3276800xf32, #tpu.memory_space<hbm>> -> memref<12800xf32, #tpu.memory_space<hbm>>
        tpu.wait_dma2 semaphore(%run_scoped3A : memref<!tpu.dma_semaphore, #tpu.memory_space<semaphore_mem>>) src(%dma_wait3A_427 : memref<12800xf32, #tpu.memory_space<hbm>>) dst(%arg7 : memref<12800xf32, #tpu.memory_space<vmem>>)
        tpu.yield
      }) : () -> ()
      %scan3A_418 = arith.constant 0 : i32
      %scan3A_419 = arith.constant 0 : i32
      %scan3A_420 = arith.constant 32 : i32
      %scan3A_421 = arith.addi %scan3A_419, %scan3A_420 : i32
      %scan3A_422 = arith.constant 1 : i32
      %scan3A_423 = scf.for %scan3A_426 = %scan3A_419 to %scan3A_421 step %scan3A_422 iter_args(%scan3A_427 = %scan3A_418) -> (i32)  : i32 {
        %mul3A_428 = arith.constant 64 : i32
        %mul3A_429 = arith.muli %scan3A_411, %mul3A_428 : i32
        %mul3A_430 = arith.constant 2 : i32
        %mul3A_431 = arith.muli %mul3A_430, %scan3A_426 : i32
        %add3A_432 = arith.addi %mul3A_429, %mul3A_431 : i32
        %broadcast_in_dim3A_433 = vector.broadcast %add3A_432 : i32 to vector<16xi32>
        %add3A_434 = arith.constant 1 : i32
        %add3A_435 = vector.broadcast %add3A_434 : i32 to vector<16xi32>
        %add3A_436 = arith.addi %broadcast_in_dim3A_433, %add3A_435 : vector<16xi32>
        %gather3A_437 = tpu.vector_load_idx %arg12[%broadcast_in_dim3A_433] : memref<512xf32, #tpu.memory_space<vmem>>[vector<16xi32>], vector<16xf32>,
        %gather3A_438 = tpu.vector_load_idx %arg13[%broadcast_in_dim3A_433] : memref<512xf32, #tpu.memory_space<vmem>>[vector<16xi32>], vector<16xf32>,
        %gather3A_439 = tpu.vector_load_idx %arg12[%add3A_436] : memref<512xf32, #tpu.memory_space<vmem>>[vector<16xi32>], vector<16xf32>,
        %gather3A_440 = tpu.vector_load_idx %arg13[%add3A_436] : memref<512xf32, #tpu.memory_space<vmem>>[vector<16xi32>], vector<16xf32>,
        %select_n3A = arith.select %lt3A_404, %gather3A_437, %gather3A_439 : vector<16xi1>, vector<16xf32>
        %select_n3A_441 = arith.select %lt3A_404, %gather3A_438, %gather3A_440 : vector<16xi1>, vector<16xf32>
        %mul3A_442 = arith.constant 400 : i32
        %mul3A_443 = arith.muli %scan3A_426, %mul3A_442 : i32
        %add3A_444 = arith.constant 0 : i32
        %add3A_445 = arith.addi %mul3A_443, %add3A_444 : i32
        %get3A_446 = arith.index_cast %add3A_445 : i32 to index
        %get3A_447 = tpu.vector_load %arg7[%get3A_446] {strides = array<i32>} : memref<12800xf32, #tpu.memory_space<vmem>>, vector<16xf32>,
        %mul3A_448 = arith.mulf %get3A_447, %gather3A_437 : vector<16xf32>
        %add3A_449 = arith.addf %mul3A_448, %gather3A_438 : vector<16xf32>
        %swap3A_450 = arith.index_cast %add3A_445 : i32 to index
        %swap3A_451 = tpu.vector_load %arg8[%swap3A_450] {strides = array<i32>} : memref<12800xf32, #tpu.memory_space<vmem>>, vector<16xf32>,
        tpu.vector_store %arg8[%swap3A_450], %add3A_449 {strides = array<i32>} : memref<12800xf32, #tpu.memory_space<vmem>>, vector<16xf32>,
        %add3A_452 = arith.constant 16 : i32
        %add3A_453 = arith.addi %mul3A_443, %add3A_452 : i32
        %get3A_454 = arith.index_cast %add3A_453 : i32 to index
        %get3A_455 = tpu.vector_load %arg7[%get3A_454] {strides = array<i32>} : memref<12800xf32, #tpu.memory_space<vmem>>, vector<16xf32>,
        %mul3A_456 = arith.mulf %get3A_455, %gather3A_437 : vector<16xf32>
        %add3A_457 = arith.addf %mul3A_456, %gather3A_438 : vector<16xf32>
        %swap3A_458 = arith.index_cast %add3A_453 : i32 to index
        %swap3A_459 = tpu.vector_load %arg8[%swap3A_458] {strides = array<i32>} : memref<12800xf32, #tpu.memory_space<vmem>>, vector<16xf32>,
        tpu.vector_store %arg8[%swap3A_458], %add3A_457 {strides = array<i32>} : memref<12800xf32, #tpu.memory_space<vmem>>, vector<16xf32>,
        %add3A_460 = arith.constant 32 : i32
        %add3A_461 = arith.addi %mul3A_443, %add3A_460 : i32
        %get3A_462 = arith.index_cast %add3A_461 : i32 to index
        %get3A_463 = tpu.vector_load %arg7[%get3A_462] {strides = array<i32>} : memref<12800xf32, #tpu.memory_space<vmem>>, vector<16xf32>,
        %mul3A_464 = arith.mulf %get3A_463, %gather3A_437 : vector<16xf32>
        %add3A_465 = arith.addf %mul3A_464, %gather3A_438 : vector<16xf32>
        %swap3A_466 = arith.index_cast %add3A_461 : i32 to index
        %swap3A_467 = tpu.vector_load %arg8[%swap3A_466] {strides = array<i32>} : memref<12800xf32, #tpu.memory_space<vmem>>, vector<16xf32>,
        tpu.vector_store %arg8[%swap3A_466], %add3A_465 {strides = array<i32>} : memref<12800xf32, #tpu.memory_space<vmem>>, vector<16xf32>,
        %add3A_468 = arith.constant 48 : i32
        %add3A_469 = arith.addi %mul3A_443, %add3A_468 : i32
        %get3A_470 = arith.index_cast %add3A_469 : i32 to index
        %get3A_471 = tpu.vector_load %arg7[%get3A_470] {strides = array<i32>} : memref<12800xf32, #tpu.memory_space<vmem>>, vector<16xf32>,
        %mul3A_472 = arith.mulf %get3A_471, %gather3A_437 : vector<16xf32>
        %add3A_473 = arith.addf %mul3A_472, %gather3A_438 : vector<16xf32>
        %swap3A_474 = arith.index_cast %add3A_469 : i32 to index
        %swap3A_475 = tpu.vector_load %arg8[%swap3A_474] {strides = array<i32>} : memref<12800xf32, #tpu.memory_space<vmem>>, vector<16xf32>,
        tpu.vector_store %arg8[%swap3A_474], %add3A_473 {strides = array<i32>} : memref<12800xf32, #tpu.memory_space<vmem>>, vector<16xf32>,
        %add3A_476 = arith.constant 64 : i32
        %add3A_477 = arith.addi %mul3A_443, %add3A_476 : i32
        %get3A_478 = arith.index_cast %add3A_477 : i32 to index
        %get3A_479 = tpu.vector_load %arg7[%get3A_478] {strides = array<i32>} : memref<12800xf32, #tpu.memory_space<vmem>>, vector<16xf32>,
        %mul3A_480 = arith.mulf %get3A_479, %gather3A_437 : vector<16xf32>
        %add3A_481 = arith.addf %mul3A_480, %gather3A_438 : vector<16xf32>
        %swap3A_482 = arith.index_cast %add3A_477 : i32 to index
        %swap3A_483 = tpu.vector_load %arg8[%swap3A_482] {strides = array<i32>} : memref<12800xf32, #tpu.memory_space<vmem>>, vector<16xf32>,
        tpu.vector_store %arg8[%swap3A_482], %add3A_481 {strides = array<i32>} : memref<12800xf32, #tpu.memory_space<vmem>>, vector<16xf32>,
        %add3A_484 = arith.constant 80 : i32
        %add3A_485 = arith.addi %mul3A_443, %add3A_484 : i32
        %get3A_486 = arith.index_cast %add3A_485 : i32 to index
        %get3A_487 = tpu.vector_load %arg7[%get3A_486] {strides = array<i32>} : memref<12800xf32, #tpu.memory_space<vmem>>, vector<16xf32>,
        %mul3A_488 = arith.mulf %get3A_487, %gather3A_437 : vector<16xf32>
        %add3A_489 = arith.addf %mul3A_488, %gather3A_438 : vector<16xf32>
        %swap3A_490 = arith.index_cast %add3A_485 : i32 to index
        %swap3A_491 = tpu.vector_load %arg8[%swap3A_490] {strides = array<i32>} : memref<12800xf32, #tpu.memory_space<vmem>>, vector<16xf32>,
        tpu.vector_store %arg8[%swap3A_490], %add3A_489 {strides = array<i32>} : memref<12800xf32, #tpu.memory_space<vmem>>, vector<16xf32>,
        %add3A_492 = arith.constant 96 : i32
        %add3A_493 = arith.addi %mul3A_443, %add3A_492 : i32
        %get3A_494 = arith.index_cast %add3A_493 : i32 to index
        %get3A_495 = tpu.vector_load %arg7[%get3A_494] {strides = array<i32>} : memref<12800xf32, #tpu.memory_space<vmem>>, vector<16xf32>,
        %mul3A_496 = arith.mulf %get3A_495, %gather3A_437 : vector<16xf32>
        %add3A_497 = arith.addf %mul3A_496, %gather3A_438 : vector<16xf32>
        %swap3A_498 = arith.index_cast %add3A_493 : i32 to index
        %swap3A_499 = tpu.vector_load %arg8[%swap3A_498] {strides = array<i32>} : memref<12800xf32, #tpu.memory_space<vmem>>, vector<16xf32>,
        tpu.vector_store %arg8[%swap3A_498], %add3A_497 {strides = array<i32>} : memref<12800xf32, #tpu.memory_space<vmem>>, vector<16xf32>,
        %add3A_500 = arith.constant 112 : i32
        %add3A_501 = arith.addi %mul3A_443, %add3A_500 : i32
        %get3A_502 = arith.index_cast %add3A_501 : i32 to index
        %get3A_503 = tpu.vector_load %arg7[%get3A_502] {strides = array<i32>} : memref<12800xf32, #tpu.memory_space<vmem>>, vector<16xf32>,
        %mul3A_504 = arith.mulf %get3A_503, %gather3A_437 : vector<16xf32>
        %add3A_505 = arith.addf %mul3A_504, %gather3A_438 : vector<16xf32>
        %swap3A_506 = arith.index_cast %add3A_501 : i32 to index
        %swap3A_507 = tpu.vector_load %arg8[%swap3A_506] {strides = array<i32>} : memref<12800xf32, #tpu.memory_space<vmem>>, vector<16xf32>,
        tpu.vector_store %arg8[%swap3A_506], %add3A_505 {strides = array<i32>} : memref<12800xf32, #tpu.memory_space<vmem>>, vector<16xf32>,
        %add3A_508 = arith.constant 128 : i32
        %add3A_509 = arith.addi %mul3A_443, %add3A_508 : i32
        %get3A_510 = arith.index_cast %add3A_509 : i32 to index
        %get3A_511 = tpu.vector_load %arg7[%get3A_510] {strides = array<i32>} : memref<12800xf32, #tpu.memory_space<vmem>>, vector<16xf32>,
        %mul3A_512 = arith.mulf %get3A_511, %gather3A_437 : vector<16xf32>
        %add3A_513 = arith.addf %mul3A_512, %gather3A_438 : vector<16xf32>
        %swap3A_514 = arith.index_cast %add3A_509 : i32 to index
        %swap3A_515 = tpu.vector_load %arg8[%swap3A_514] {strides = array<i32>} : memref<12800xf32, #tpu.memory_space<vmem>>, vector<16xf32>,
        tpu.vector_store %arg8[%swap3A_514], %add3A_513 {strides = array<i32>} : memref<12800xf32, #tpu.memory_space<vmem>>, vector<16xf32>,
        %add3A_516 = arith.constant 144 : i32
        %add3A_517 = arith.addi %mul3A_443, %add3A_516 : i32
        %get3A_518 = arith.index_cast %add3A_517 : i32 to index
        %get3A_519 = tpu.vector_load %arg7[%get3A_518] {strides = array<i32>} : memref<12800xf32, #tpu.memory_space<vmem>>, vector<16xf32>,
        %mul3A_520 = arith.mulf %get3A_519, %gather3A_437 : vector<16xf32>
        %add3A_521 = arith.addf %mul3A_520, %gather3A_438 : vector<16xf32>
        %swap3A_522 = arith.index_cast %add3A_517 : i32 to index
        %swap3A_523 = tpu.vector_load %arg8[%swap3A_522] {strides = array<i32>} : memref<12800xf32, #tpu.memory_space<vmem>>, vector<16xf32>,
        tpu.vector_store %arg8[%swap3A_522], %add3A_521 {strides = array<i32>} : memref<12800xf32, #tpu.memory_space<vmem>>, vector<16xf32>,
        %add3A_524 = arith.constant 160 : i32
        %add3A_525 = arith.addi %mul3A_443, %add3A_524 : i32
        %get3A_526 = arith.index_cast %add3A_525 : i32 to index
        %get3A_527 = tpu.vector_load %arg7[%get3A_526] {strides = array<i32>} : memref<12800xf32, #tpu.memory_space<vmem>>, vector<16xf32>,
        %mul3A_528 = arith.mulf %get3A_527, %gather3A_437 : vector<16xf32>
        %add3A_529 = arith.addf %mul3A_528, %gather3A_438 : vector<16xf32>
        %swap3A_530 = arith.index_cast %add3A_525 : i32 to index
        %swap3A_531 = tpu.vector_load %arg8[%swap3A_530] {strides = array<i32>} : memref<12800xf32, #tpu.memory_space<vmem>>, vector<16xf32>,
        tpu.vector_store %arg8[%swap3A_530], %add3A_529 {strides = array<i32>} : memref<12800xf32, #tpu.memory_space<vmem>>, vector<16xf32>,
        %add3A_532 = arith.constant 176 : i32
        %add3A_533 = arith.addi %mul3A_443, %add3A_532 : i32
        %get3A_534 = arith.index_cast %add3A_533 : i32 to index
        %get3A_535 = tpu.vector_load %arg7[%get3A_534] {strides = array<i32>} : memref<12800xf32, #tpu.memory_space<vmem>>, vector<16xf32>,
        %mul3A_536 = arith.mulf %get3A_535, %gather3A_437 : vector<16xf32>
        %add3A_537 = arith.addf %mul3A_536, %gather3A_438 : vector<16xf32>
        %swap3A_538 = arith.index_cast %add3A_533 : i32 to index
        %swap3A_539 = tpu.vector_load %arg8[%swap3A_538] {strides = array<i32>} : memref<12800xf32, #tpu.memory_space<vmem>>, vector<16xf32>,
        tpu.vector_store %arg8[%swap3A_538], %add3A_537 {strides = array<i32>} : memref<12800xf32, #tpu.memory_space<vmem>>, vector<16xf32>,
        %add3A_540 = arith.constant 192 : i32
        %add3A_541 = arith.addi %mul3A_443, %add3A_540 : i32
        %get3A_542 = arith.index_cast %add3A_541 : i32 to index
        %get3A_543 = tpu.vector_load %arg7[%get3A_542] {strides = array<i32>} : memref<12800xf32, #tpu.memory_space<vmem>>, vector<16xf32>,
        %mul3A_544 = arith.mulf %get3A_543, %select_n3A : vector<16xf32>
        %add3A_545 = arith.addf %mul3A_544, %select_n3A_441 : vector<16xf32>
        %swap3A_546 = arith.index_cast %add3A_541 : i32 to index
        %swap3A_547 = tpu.vector_load %arg8[%swap3A_546] {strides = array<i32>} : memref<12800xf32, #tpu.memory_space<vmem>>, vector<16xf32>,
        tpu.vector_store %arg8[%swap3A_546], %add3A_545 {strides = array<i32>} : memref<12800xf32, #tpu.memory_space<vmem>>, vector<16xf32>,
        %add3A_548 = arith.constant 208 : i32
        %add3A_549 = arith.addi %mul3A_443, %add3A_548 : i32
        %get3A_550 = arith.index_cast %add3A_549 : i32 to index
        %get3A_551 = tpu.vector_load %arg7[%get3A_550] {strides = array<i32>} : memref<12800xf32, #tpu.memory_space<vmem>>, vector<16xf32>,
        %mul3A_552 = arith.mulf %get3A_551, %gather3A_439 : vector<16xf32>
        %add3A_553 = arith.addf %mul3A_552, %gather3A_440 : vector<16xf32>
        %swap3A_554 = arith.index_cast %add3A_549 : i32 to index
        %swap3A_555 = tpu.vector_load %arg8[%swap3A_554] {strides = array<i32>} : memref<12800xf32, #tpu.memory_space<vmem>>, vector<16xf32>,
        tpu.vector_store %arg8[%swap3A_554], %add3A_553 {strides = array<i32>} : memref<12800xf32, #tpu.memory_space<vmem>>, vector<16xf32>,
        %add3A_556 = arith.constant 224 : i32
        %add3A_557 = arith.addi %mul3A_443, %add3A_556 : i32
        %get3A_558 = arith.index_cast %add3A_557 : i32 to index
        %get3A_559 = tpu.vector_load %arg7[%get3A_558] {strides = array<i32>} : memref<12800xf32, #tpu.memory_space<vmem>>, vector<16xf32>,
        %mul3A_560 = arith.mulf %get3A_559, %gather3A_439 : vector<16xf32>
        %add3A_561 = arith.addf %mul3A_560, %gather3A_440 : vector<16xf32>
        %swap3A_562 = arith.index_cast %add3A_557 : i32 to index
        %swap3A_563 = tpu.vector_load %arg8[%swap3A_562] {strides = array<i32>} : memref<12800xf32, #tpu.memory_space<vmem>>, vector<16xf32>,
        tpu.vector_store %arg8[%swap3A_562], %add3A_561 {strides = array<i32>} : memref<12800xf32, #tpu.memory_space<vmem>>, vector<16xf32>,
        %add3A_564 = arith.constant 240 : i32
        %add3A_565 = arith.addi %mul3A_443, %add3A_564 : i32
        %get3A_566 = arith.index_cast %add3A_565 : i32 to index
        %get3A_567 = tpu.vector_load %arg7[%get3A_566] {strides = array<i32>} : memref<12800xf32, #tpu.memory_space<vmem>>, vector<16xf32>,
        %mul3A_568 = arith.mulf %get3A_567, %gather3A_439 : vector<16xf32>
        %add3A_569 = arith.addf %mul3A_568, %gather3A_440 : vector<16xf32>
        %swap3A_570 = arith.index_cast %add3A_565 : i32 to index
        %swap3A_571 = tpu.vector_load %arg8[%swap3A_570] {strides = array<i32>} : memref<12800xf32, #tpu.memory_space<vmem>>, vector<16xf32>,
        tpu.vector_store %arg8[%swap3A_570], %add3A_569 {strides = array<i32>} : memref<12800xf32, #tpu.memory_space<vmem>>, vector<16xf32>,
        %add3A_572 = arith.constant 256 : i32
        %add3A_573 = arith.addi %mul3A_443, %add3A_572 : i32
        %get3A_574 = arith.index_cast %add3A_573 : i32 to index
        %get3A_575 = tpu.vector_load %arg7[%get3A_574] {strides = array<i32>} : memref<12800xf32, #tpu.memory_space<vmem>>, vector<16xf32>,
        %mul3A_576 = arith.mulf %get3A_575, %gather3A_439 : vector<16xf32>
        %add3A_577 = arith.addf %mul3A_576, %gather3A_440 : vector<16xf32>
        %swap3A_578 = arith.index_cast %add3A_573 : i32 to index
        %swap3A_579 = tpu.vector_load %arg8[%swap3A_578] {strides = array<i32>} : memref<12800xf32, #tpu.memory_space<vmem>>, vector<16xf32>,
        tpu.vector_store %arg8[%swap3A_578], %add3A_577 {strides = array<i32>} : memref<12800xf32, #tpu.memory_space<vmem>>, vector<16xf32>,
        %add3A_580 = arith.constant 272 : i32
        %add3A_581 = arith.addi %mul3A_443, %add3A_580 : i32
        %get3A_582 = arith.index_cast %add3A_581 : i32 to index
        %get3A_583 = tpu.vector_load %arg7[%get3A_582] {strides = array<i32>} : memref<12800xf32, #tpu.memory_space<vmem>>, vector<16xf32>,
        %mul3A_584 = arith.mulf %get3A_583, %gather3A_439 : vector<16xf32>
        %add3A_585 = arith.addf %mul3A_584, %gather3A_440 : vector<16xf32>
        %swap3A_586 = arith.index_cast %add3A_581 : i32 to index
        %swap3A_587 = tpu.vector_load %arg8[%swap3A_586] {strides = array<i32>} : memref<12800xf32, #tpu.memory_space<vmem>>, vector<16xf32>,
        tpu.vector_store %arg8[%swap3A_586], %add3A_585 {strides = array<i32>} : memref<12800xf32, #tpu.memory_space<vmem>>, vector<16xf32>,
        %add3A_588 = arith.constant 288 : i32
        %add3A_589 = arith.addi %mul3A_443, %add3A_588 : i32
        %get3A_590 = arith.index_cast %add3A_589 : i32 to index
        %get3A_591 = tpu.vector_load %arg7[%get3A_590] {strides = array<i32>} : memref<12800xf32, #tpu.memory_space<vmem>>, vector<16xf32>,
        %mul3A_592 = arith.mulf %get3A_591, %gather3A_439 : vector<16xf32>
        %add3A_593 = arith.addf %mul3A_592, %gather3A_440 : vector<16xf32>
        %swap3A_594 = arith.index_cast %add3A_589 : i32 to index
        %swap3A_595 = tpu.vector_load %arg8[%swap3A_594] {strides = array<i32>} : memref<12800xf32, #tpu.memory_space<vmem>>, vector<16xf32>,
        tpu.vector_store %arg8[%swap3A_594], %add3A_593 {strides = array<i32>} : memref<12800xf32, #tpu.memory_space<vmem>>, vector<16xf32>,
        %add3A_596 = arith.constant 304 : i32
        %add3A_597 = arith.addi %mul3A_443, %add3A_596 : i32
        %get3A_598 = arith.index_cast %add3A_597 : i32 to index
        %get3A_599 = tpu.vector_load %arg7[%get3A_598] {strides = array<i32>} : memref<12800xf32, #tpu.memory_space<vmem>>, vector<16xf32>,
        %mul3A_600 = arith.mulf %get3A_599, %gather3A_439 : vector<16xf32>
        %add3A_601 = arith.addf %mul3A_600, %gather3A_440 : vector<16xf32>
        %swap3A_602 = arith.index_cast %add3A_597 : i32 to index
        %swap3A_603 = tpu.vector_load %arg8[%swap3A_602] {strides = array<i32>} : memref<12800xf32, #tpu.memory_space<vmem>>, vector<16xf32>,
        tpu.vector_store %arg8[%swap3A_602], %add3A_601 {strides = array<i32>} : memref<12800xf32, #tpu.memory_space<vmem>>, vector<16xf32>,
        %add3A_604 = arith.constant 320 : i32
        %add3A_605 = arith.addi %mul3A_443, %add3A_604 : i32
        %get3A_606 = arith.index_cast %add3A_605 : i32 to index
        %get3A_607 = tpu.vector_load %arg7[%get3A_606] {strides = array<i32>} : memref<12800xf32, #tpu.memory_space<vmem>>, vector<16xf32>,
        %mul3A_608 = arith.mulf %get3A_607, %gather3A_439 : vector<16xf32>
        %add3A_609 = arith.addf %mul3A_608, %gather3A_440 : vector<16xf32>
        %swap3A_610 = arith.index_cast %add3A_605 : i32 to index
        %swap3A_611 = tpu.vector_load %arg8[%swap3A_610] {strides = array<i32>} : memref<12800xf32, #tpu.memory_space<vmem>>, vector<16xf32>,
        tpu.vector_store %arg8[%swap3A_610], %add3A_609 {strides = array<i32>} : memref<12800xf32, #tpu.memory_space<vmem>>, vector<16xf32>,
        %add3A_612 = arith.constant 336 : i32
        %add3A_613 = arith.addi %mul3A_443, %add3A_612 : i32
        %get3A_614 = arith.index_cast %add3A_613 : i32 to index
        %get3A_615 = tpu.vector_load %arg7[%get3A_614] {strides = array<i32>} : memref<12800xf32, #tpu.memory_space<vmem>>, vector<16xf32>,
        %mul3A_616 = arith.mulf %get3A_615, %gather3A_439 : vector<16xf32>
        %add3A_617 = arith.addf %mul3A_616, %gather3A_440 : vector<16xf32>
        %swap3A_618 = arith.index_cast %add3A_613 : i32 to index
        %swap3A_619 = tpu.vector_load %arg8[%swap3A_618] {strides = array<i32>} : memref<12800xf32, #tpu.memory_space<vmem>>, vector<16xf32>,
        tpu.vector_store %arg8[%swap3A_618], %add3A_617 {strides = array<i32>} : memref<12800xf32, #tpu.memory_space<vmem>>, vector<16xf32>,
        %add3A_620 = arith.constant 352 : i32
        %add3A_621 = arith.addi %mul3A_443, %add3A_620 : i32
        %get3A_622 = arith.index_cast %add3A_621 : i32 to index
        %get3A_623 = tpu.vector_load %arg7[%get3A_622] {strides = array<i32>} : memref<12800xf32, #tpu.memory_space<vmem>>, vector<16xf32>,
        %mul3A_624 = arith.mulf %get3A_623, %gather3A_439 : vector<16xf32>
        %add3A_625 = arith.addf %mul3A_624, %gather3A_440 : vector<16xf32>
        %swap3A_626 = arith.index_cast %add3A_621 : i32 to index
        %swap3A_627 = tpu.vector_load %arg8[%swap3A_626] {strides = array<i32>} : memref<12800xf32, #tpu.memory_space<vmem>>, vector<16xf32>,
        tpu.vector_store %arg8[%swap3A_626], %add3A_625 {strides = array<i32>} : memref<12800xf32, #tpu.memory_space<vmem>>, vector<16xf32>,
        %add3A_628 = arith.constant 368 : i32
        %add3A_629 = arith.addi %mul3A_443, %add3A_628 : i32
        %get3A_630 = arith.index_cast %add3A_629 : i32 to index
        %get3A_631 = tpu.vector_load %arg7[%get3A_630] {strides = array<i32>} : memref<12800xf32, #tpu.memory_space<vmem>>, vector<16xf32>,
        %mul3A_632 = arith.mulf %get3A_631, %gather3A_439 : vector<16xf32>
        %add3A_633 = arith.addf %mul3A_632, %gather3A_440 : vector<16xf32>
        %swap3A_634 = arith.index_cast %add3A_629 : i32 to index
        %swap3A_635 = tpu.vector_load %arg8[%swap3A_634] {strides = array<i32>} : memref<12800xf32, #tpu.memory_space<vmem>>, vector<16xf32>,
        tpu.vector_store %arg8[%swap3A_634], %add3A_633 {strides = array<i32>} : memref<12800xf32, #tpu.memory_space<vmem>>, vector<16xf32>,
        %add3A_636 = arith.constant 384 : i32
        %add3A_637 = arith.addi %mul3A_443, %add3A_636 : i32
        %get3A_638 = arith.index_cast %add3A_637 : i32 to index
        %get3A_639 = tpu.vector_load %arg7[%get3A_638] {strides = array<i32>} : memref<12800xf32, #tpu.memory_space<vmem>>, vector<16xf32>,
        %mul3A_640 = arith.mulf %get3A_639, %gather3A_439 : vector<16xf32>
        %add3A_641 = arith.addf %mul3A_640, %gather3A_440 : vector<16xf32>
        %swap3A_642 = arith.index_cast %add3A_637 : i32 to index
        %swap3A_643 = tpu.vector_load %arg8[%swap3A_642] {strides = array<i32>} : memref<12800xf32, #tpu.memory_space<vmem>>, vector<16xf32>,
        tpu.vector_store %arg8[%swap3A_642], %add3A_641 {strides = array<i32>} : memref<12800xf32, #tpu.memory_space<vmem>>, vector<16xf32>,
        %scan3A_644 = arith.constant 0 : i32
        scf.yield %scan3A_644 : i32
      }
      %scan3A_424 = arith.constant 32 : i32
      "tpu.region"() ({
        %run_scoped3A = tpu.sem_alloc : memref<!tpu.dma_semaphore, #tpu.memory_space<semaphore_mem>>
        %dma_start3A = tpu.memref_slice %arg6[%mul3A_417] : memref<3276800xf32, #tpu.memory_space<hbm>> -> memref<12800xf32, #tpu.memory_space<hbm>>
        %dma_start3A_426 = tpu.memref_slice %arg6[%mul3A_417] : memref<3276800xf32, #tpu.memory_space<hbm>> -> memref<12800xf32, #tpu.memory_space<hbm>>
        tpu.enqueue_dma source(%arg8 : memref<12800xf32, #tpu.memory_space<vmem>>) target(%dma_start3A_426 : memref<12800xf32, #tpu.memory_space<hbm>>) target_semaphore(%run_scoped3A : memref<!tpu.dma_semaphore, #tpu.memory_space<semaphore_mem>>)
        %dma_wait3A = tpu.memref_slice %arg6[%mul3A_417] : memref<3276800xf32, #tpu.memory_space<hbm>> -> memref<12800xf32, #tpu.memory_space<hbm>>
        %dma_wait3A_427 = tpu.memref_slice %arg6[%mul3A_417] : memref<3276800xf32, #tpu.memory_space<hbm>> -> memref<12800xf32, #tpu.memory_space<hbm>>
        tpu.wait_dma2 semaphore(%run_scoped3A : memref<!tpu.dma_semaphore, #tpu.memory_space<semaphore_mem>>) src(%arg8 : memref<12800xf32, #tpu.memory_space<vmem>>) dst(%dma_wait3A_427 : memref<12800xf32, #tpu.memory_space<hbm>>)
        tpu.yield
      }) : () -> ()
      %scan3A_425 = arith.constant 0 : i32
      scf.yield %scan3A_425 : i32
    }
    %scan3A_410 = arith.constant 8 : i32
    return
  }
}

</mosaic_0001>

<sc_bundles>
// kernel: kernel.3.cloned.1.call-start
scs
__scs_entry_jumppad:
0x0: {  	(pc) =	sbr.rel $0x88, $3  }
0x1: {  	(tag) =	ssettag $0x0;
	lr =	simm.s32 $0x1  }
0x2: {  	[smem:$0x3F9D] =	sst lr;
	_ =	strace $0xD0000000  }
0x3: {  	_ = 	snop  }
0x4: {  	_ = 	snop  }
0x5: {  	_ = 	snop  }
0x6: {  	_ = 	snop  }
0x7: {  	_ = 	snop  }
__scs_overlays_trampoline_lowered:
0x8: {  	[smem:$0x3FAC] =	sst s0  }
0x9: {  	[smem:$0x3FAD] =	sst s1  }
0xa: {  	[smem:$0x3FAE] =	sst s2  }
0xb: {  	[smem:$0x3FAF] =	sst s3  }
0xc: {  	[smem:$0x3FB0] =	sst s4  }
0xd: {  	[smem:$0x3FB1] =	sst s5  }
0xe: {  	[smem:$0x3FB2] =	sst s6  }
0xf: {  	[smem:$0x3FB3] =	sst s7  }
0x10: {  	[smem:$0x3FB4] =	sst s8  }
0x11: {  	[smem:$0x3FB5] =	sst s9;
	s0 =	simm.s32 @!p0 $0x0  }
0x12: {  	s1 =	sld [smem:$0x3F9B];
	s0 =	simm.s32 @p0 $0x1  }
0x13: {  	[smem:$0x3FB6] =	sst s0;
	s0 =	simm.s32 @!p1 $0x0  }
0x14: {  	s2 =	sld [smem:$0x3F9A];
	s0 =	simm.s32 @p1 $0x1  }
0x15: {  	[smem:$0x3FB7] =	sst s0;
	s0 =	simm.s32 @!p2 $0x0  }
0x16: {  	s3 =	sld [smem:$0x3FDB];
	s0 =	simm.s32 @p2 $0x1  }
0x17: {  	s4 =	simm.s32 $0x1BF5;
	[smem:$0x3FB9] =	sst s0  }
0x18: {  	s0 =	sld [smem:$0x3F9C];
	_ =	swait.ge [sflag:s4], $0x0  }
0x19: {  	s7 =	sld [smem:$0x3F9D]  }
0x1a: {  	s8 =	sadd.s32 $0xFFFFE003, lr  }
0x1b: {  	s9 =	sadd.s32 $0xFFFFFEF7, lr;
	s5 =	simm.s32 $0xFFFFFFFF;
	p2 =	slt.u32 s8, $0xFFFFF086  }
0x1c: {  	p1 =	slt.u32 s9, $0xF7A;
	s5 =	simm.s32 @!p2 $0x0  }
0x1d: {  	s5 =	simm.s32 @p1 $0x1;
	p0 =	seq.s32 s7, s2  }
0x1e: {  	s7 =	smul.u32 @!p0 $0xF7A, s2;
	p2 =	seq.s32 @!p0 s5, $0x0  }
0x1f: {  	s9 =	smul.u32 $0xF7A, s1;
	s8 =	simm.s32 @!p0 $0x1BF5;
	p2 =	por !p2, p0  }
0x20: {  	[sflag:s8] =	ssyncset.s32 @!p0 $0xFFFFF086;
	s6 =	sadd.s32 @!p0 s3, s7;
	s7 =	simm.s32 @!p0 $0x108  }
0x21: {  	s3 =	sadd.s32 s3, s9;
	s6 =	sadd.s32 @!p0 $0x88, s6;
	s7 =	simm.s32 @p2 $0x1082  }
0x22: {  	[simem:s7], [sflag:s8] =	dma.local @!p0 [hbm:s6], $0xF7A  }
0x23: {  	s9 =	sor.u32 $0xD0000000, s2;
	s6 =	simm.s32 $0x108;
	_ =	swait.ge @!p0 [sflag:s8], $0x0  }
0x24: {  	s3 =	sadd.s32 $0x88, s3;
	s6 =	simm.s32 @!p1 $0x1082;
	[sflag:s4] =	ssyncset.s32 $0xFFFFF086  }
0x25: {  	[simem:s6], [sflag:s4] =	dma.local [hbm:s3], $0xF7A  }
0x26: {  	[smem:$0x3F9D] =	sst s1;
	(tag) =	ssettag s2;
	_ =	strace s9  }
0x27: {  	s1 =	sld [smem:$0x3FAD]  }
0x28: {  	s2 =	sld [smem:$0x3FAE]  }
0x29: {  	s4 =	sld [smem:$0x3FB0]  }
0x2a: {  	p0 =	seq.s32 s5, $0x0;
	s5 =	sld [smem:$0x3FB1]  }
0x2b: {  	s6 =	sld [smem:$0x3FB2]  }
0x2c: {  	s7 =	sld [smem:$0x3FB3]  }
0x2d: {  	s3 =	simm.s32 $0x108;
	s8 =	sld [smem:$0x3FB4]  }
0x2e: {  	s3 =	simm.s32 @!p0 $0x1082;
	s9 =	sld [smem:$0x3FB5]  }
0x2f: {  	lr =	sadd.s32 s0, s3;
	s0 =	sld [smem:$0x3FAC]  }
0x30: {  	s3 =	sld [smem:$0x3FAF]  }
0x31: {  	[smem:$0x3FB8] =	sst s10  }
0x32: {  	s10 =	sld [smem:$0x3FB6];
	_ =	sdelay $0x3  }
0x33: {  	p0 =	seq.s32 s10, $0x1;
	s10 =	sld [smem:$0x3FB8];
	_ =	sdelay $0x3  }
0x34: {  	[smem:$0x3FB8] =	sst s10  }
0x35: {  	s10 =	sld [smem:$0x3FB7];
	_ =	sdelay $0x3  }
0x36: {  	p1 =	seq.s32 s10, $0x1;
	s10 =	sld [smem:$0x3FB8];
	_ =	sdelay $0x3  }
0x37: {  	[smem:$0x3FB8] =	sst s10  }
0x38: {  	s10 =	sld [smem:$0x3FB9]  }
0x39: {  	_ = 	snop;
	(pc) =	sbr.ind lr, $3  }
0x3a: {  	_ = 	snop  }
0x3b: {  	_ = 	snop  }
0x3c: {  	p2 =	seq.s32 s10, $0x1;
	s10 =	sld [smem:$0x3FB8]  }
0x3d: {  	_ =	shalt  }
0x3e: {  	_ =	shalt  }
0x3f: {  	_ =	shalt  }
0x40: {  	_ =	shalt  }
0x41: {  	_ =	shalt  }
0x42: {  	_ =	shalt  }
0x43: {  	_ =	shalt  }
0x44: {  	_ =	shalt  }
0x45: {  	_ =	shalt  }
0x46: {  	_ =	shalt  }
0x47: {  	_ =	shalt  }
0x48: {  	_ =	shalt  }
0x49: {  	_ =	shalt  }
0x4a: {  	_ =	shalt  }
0x4b: {  	_ =	shalt  }
0x4c: {  	_ =	shalt  }
0x4d: {  	_ =	shalt  }
0x4e: {  	_ =	shalt  }
0x4f: {  	_ =	shalt  }
0x50: {  	_ =	shalt  }
0x51: {  	_ =	shalt  }
0x52: {  	_ =	shalt  }
0x53: {  	_ =	shalt  }
0x54: {  	_ =	shalt  }
0x55: {  	_ =	shalt  }
0x56: {  	_ =	shalt  }
0x57: {  	_ =	shalt  }
0x58: {  	_ =	shalt  }
0x59: {  	_ =	shalt  }
0x5a: {  	_ =	shalt  }
0x5b: {  	_ =	shalt  }
0x5c: {  	_ =	shalt  }
0x5d: {  	_ =	shalt  }
0x5e: {  	_ =	shalt  }
0x5f: {  	_ =	shalt  }
0x60: {  	_ =	shalt  }
0x61: {  	_ =	shalt  }
0x62: {  	_ =	shalt  }
0x63: {  	_ =	shalt  }
0x64: {  	_ =	shalt  }
0x65: {  	_ =	shalt  }
0x66: {  	_ =	shalt  }
0x67: {  	_ =	shalt  }
0x68: {  	_ =	shalt  }
0x69: {  	_ =	shalt  }
0x6a: {  	_ =	shalt  }
0x6b: {  	_ =	shalt  }
0x6c: {  	_ =	shalt  }
0x6d: {  	_ =	shalt  }
0x6e: {  	_ =	shalt  }
0x6f: {  	_ =	shalt  }
0x70: {  	_ =	shalt  }
0x71: {  	_ =	shalt  }
0x72: {  	_ =	shalt  }
0x73: {  	_ =	shalt  }
0x74: {  	_ =	shalt  }
0x75: {  	_ =	shalt  }
0x76: {  	_ =	shalt  }
0x77: {  	_ =	shalt  }
0x78: {  	_ =	shalt  }
0x79: {  	_ =	shalt  }
0x7a: {  	_ =	shalt  }
0x7b: {  	_ =	shalt  }
0x7c: {  	_ =	shalt  }
0x7d: {  	_ =	shalt  }
0x7e: {  	_ =	shalt  }
0x7f: {  	_ =	shalt  }
0x80: {  	_ =	shalt  }
0x81: {  	_ =	shalt  }
0x82: {  	_ =	shalt  }
0x83: {  	_ =	shalt  }
0x84: {  	_ =	shalt  }
0x85: {  	_ =	shalt  }
0x86: {  	_ =	shalt  }
0x87: {  	_ =	shalt  }
.Lfunc_end0:
.L_simem_size_0:
called_computation_lowered:
.L_overlay_start_0:
0x88: {  	s2 =	sld [smem:$0x3FD9]  }
0x89: {  	s3 =	sld [smem:$0x3FFE];
	_ =	sdelay $0x1  }
0x8a: {  	s1 =	srdreg.scid  }
0x8b: {  	s0 =	sand.u32 $0x1, s1  }
0x8c: {  	s17 =	sshll.u32 s0, $0xA;
	s2 =	sadd.s32 s3, s2  }
0x8d: {  	s2 =	sadd.s32 s2, s17  }
0x8e: {  	[smem:$0x3FC4] =	sst s2  }
0x8f: {  	_ = 	snop  }
0x90: {  	s2 =	sld [smem:$0x3FC8]  }
0x91: {  	s18 =	sld [smem:$0x3FC7]  }
0x92: {  	s4 =	sld [smem:$0x3FC6]  }
0x93: {  	s5 =	sld [smem:$0x3FD0];
	(tm) =	ssettm $0x1  }
0x94: {  	s6 =	sld [smem:$0x3FFB];
	_ =	sdelay $0x3  }
0x95: {  	_ =	strace s6  }
0x96: {  	s6 =	sld [smem:$0x3FFC];
	_ =	sdelay $0x3  }
0x97: {  	_ =	strace s6  }
0x98: {  	s6 =	sld [smem:$0x3FFD];
	_ =	sdelay $0x3  }
0x99: {  	_ =	strace s6  }
0x9a: {  	_ =	strace $0x8FFFFFFF  }
0x9b: {  	s19 =	sld [smem:$0x3FDB];
	_ =	sdelay $0x1  }
0x9c: {  	s7 =	simm.s32 $_scs_section_size  }
0x9d: {  	s8 =	simm.s32 $_size__tile_overlayer_lowered;
	s9 =	simm.s32 $_tile_overlayer_lowered  }
0x9e: {  	s22 =	simm.s32 $0x1BFF;
	s21 =	sshll.u32 s9, $0x1;
	s6 =	sadd.s32 s7, s19  }
0x9f: {  	s10 =	simm.s32 $0x0;
	s20 =	sshll.u32 s8, $0x1;
	s8 =	sadd.s32 s21, s6  }
0xa0: {  	[timem:s10], [sflag:s22] =	dma.local [hbm:s8], s20  }
0xa1: {  	_ =	swait.ge [sflag:s22], s20  }
0xa2: {  	s7 =	ssub.s32 $0x0, s20;
	[sflag:s22] =	ssyncset.done $0x0  }
0xa3: {  	[sflag:s22] =	ssyncadd.s32 s7;
	_ =	sdelay $0x1  }
0xa4: {  	s23 =	simm.s32 $0x1B8B  }
0xa5: {  	_ =	swait.ge [sflag:s23], $0x1  }
0xa6: {  	[sflag:s23] =	ssyncset.done $0x0  }
0xa7: {  	s25 =	simm.s32 $0x1B8E;
	s24 =	sld [smem:$0x3FFE];
	[sflag:s23] =	ssyncadd.s32 $0xFFFFFFFF  }
0xa8: {  	s26 =	simm.s32 $execute0_lowered;
	[smem:$0x3FD2] =	sst s25  }
0xa9: {  	s8 =	sshll.u32 s26, $0x1;
	_ =	strace $0x80000046;
	[dreg:$0x1] =	wrdreg $0xFFFFFFFF  }
0xaa: {  	s28 =	simm.s32 $_size_execute0_lowered;
	s6 =	sadd.s32 s6, s8;
	[dreg:$0x0] =	wrdreg $0x0  }
0xab: {  	s8 =	sshll.u32 s28, $0x1;
	[dreg:$0x2] =	wrdreg s6  }
0xac: {  	[dreg:$0x3] =	wrdreg s8  }
0xad: {  	[dreg:$0x4] =	wrdreg $0xC0  }
0xae: {  	_ =	task [dreg:s10], $0x5FFFF  }
0xaf: {  	[dreg:$0x1] =	wrdreg $0xFFFFFFFF  }
0xb0: {  	[dreg:$0x0] =	wrdreg $0x60  }
0xb1: {  	[dreg:$0x2] =	wrdreg s5  }
0xb2: {  	[dreg:$0x3] =	wrdreg s2  }
0xb3: {  	[dreg:$0x4] =	wrdreg s18  }
0xb4: {  	[dreg:$0x5] =	wrdreg s4  }
0xb5: {  	[dreg:$0x6] =	wrdreg s24  }
0xb6: {  	[dreg:$0x7] =	wrdreg $0x9  }
0xb7: {  	_ =	task.clear_ibuf [dreg:s10], $0x8FFFF;
	_ =	strace $0x90000046  }
0xb8: {  	s29 =	simm.s32 $0x9;
	_ =	strace $0x80000048  }
0xb9: {  	_ =	swait.ge [sflag:s29], $0x1  }
0xba: {  	[sflag:s29] =	ssyncadd.s32 $0xFFFFFFFF  }
0xbb: {  	_ =	strace $0x90000048  }
0xbc: {  	_ =	sfence  }
0xbd: {  	s30 =	sld [smem:$0x0];
	_ =	sdelay $0x2  }
0xbe: {  	s31 =	sshll.u32 s1, $0xD;
	s1 =	sshrl.u32 s1, $0x2  }
0xbf: {  	s3 =	sand.u32 $0x4000, s31;
	s1 =	sadd.s32 s1, s30  }
0xc0: {  	s0 =	sor.u32 s3, s0;
	s1 =	sshll.u32 s1, $0x11  }
0xc1: {  	s0 =	sor.u32 s1, s0  }
0xc2: {  	s0 =	sadd.s32 $0x8F2B, s0  }
0xc3: {  	[sflag:s0] =	ssyncadd.remote.s32 $0x1  }
0xc4: {  	_ =	sfence.sel $0xFFFF  }
0xc5: {  	[dreg:$0x0] =	wrdreg $0xFFFFFFFF;
	(pc) =	sbr.abs _section_cstart, $3  }
0xc6: {  	[dreg:$0x1] =	wrdreg $0xFFFFFFFF  }
0xc7: {  	_ =	task.clear_ibuf [dreg:s10], $0x2FFFF;
	_ =	strace $0x9FFFFFFF  }
0xc8: {  	(tm) =	ssettm $0x7FFFFFFF  }
0xc9: {  	_ =	shalt  }
tec
execute0_lowered:
.L_overlay_start_1:
0x0: {  	(tag) =	ssettag $0x1  }
0x1: {  	s1 =	rddreg [dreg:$0x0]  }
0x2: {  	s8 =	rddreg [dreg:$0x1]  }
0x3: {  	s2 =	rddreg [dreg:$0x2]  }
0x4: {  	s4 =	rddreg [dreg:$0x3]  }
0x5: {  	s7 =	rddreg [dreg:$0x4];
	s5 =	srdreg.scid  }
0x6: {  	s0 =	rddreg [dreg:$0x5];
	s3 =	stileid.u32;
	s12 =	simm.s32 $0x6480  }
0x7: {  	s13 =	simm.s32 $0x6500;
	s14 =	simm.s32 $0x6700;
	s15 =	simm.s32 $0x6900  }
0x8: {  	s16 =	simm.s32 $0x3200;
	s17 =	simm.s32 $0x0;
	s6 =	sand.u32 $0x1, s5  }
0x9: {  	s5 =	simm.s32 $0x0;
	s9 =	sshll.u32 s3, $0xA;
	s7 =	sadd.s32 $0x400, s7  }
0xa: {  	s10 =	sshll.u32 s6, $0x9;
	[smem:$0x7FF] =	sst s5;
	s11 =	ssub.s32 $0x2, s6  }
0xb: {  	s6 =	sor.u32 s10, s9;
	_ =	strace $0x80000047;
	s31 =	sshrl.u32 s11, $0x1  }
0xc: {  	s10 =	sshrl.u32 s6, $0x3;
	s9 =	ssub.s32 s11, s31;
	s11 =	simm.s32 $0x1  }
0xd: {  	vm0 =	vmmov $0xff;
	s8 =	sadd.s32 s8, s10;
	s9 =	smax.u32 s9, $0x1;
	s10 =	simm.s32 $0x6400  }
.LBB2_1:
0xe: {  	[tilespmem:s10], [sflag:$0x1] =	stream.linear.gather [hbm4b:s2+s5], $0x80, $0x38;
	[tilespmem:$0x6B00] =	vst v63  }
0xf: {  	_ =	swait.ge [sflag:s11], $0x80  }
0x10: {  	[sflag:s11] =	ssyncset.done $0x0  }
0x11: {  	[sflag:s11] =	ssyncadd.s32 $0xFFFFFF80  }
0x12: {  	[tilespmem:s12], [sflag:$0x1] =	stream.linear.gather [hbm4b:s4+s5], $0x80, $0x38;
	[tilespmem:$0x6B00] =	vst v63  }
0x13: {  	_ =	swait.ge [sflag:s11], $0x80  }
0x14: {  	[sflag:s11] =	ssyncset.done $0x0  }
0x15: {  	[sflag:s11] =	ssyncadd.s32 $0xFFFFFF80  }
0x16: {  	[tilespmem:s13], [sflag:$0x1] =	stream.linear.gather [hbm4b:s8+s5], $0x200, $0x38;
	[tilespmem:$0x6B00] =	vst v63  }
0x17: {  	_ =	swait.ge [sflag:s11], $0x200  }
0x18: {  	[sflag:s11] =	ssyncset.done $0x0  }
0x19: {  	[sflag:s11] =	ssyncadd.s32 $0xFFFFFE00  }
0x1a: {  	v0 =	vld [tilespmem:$0x6480]  }
0x1b: {  	v1 =	vld [tilespmem:$0x6490]  }
0x1c: {  	v2 =	vld [tilespmem:$0x64A0]  }
0x1d: {  	v3 =	vld [tilespmem:$0x64B0];
	_ =	sdelay $0x1  }
0x1e: {  	(erf) = vrcp.f32 v0  }
0x1f: {  	(erf) = vrcp.f32 v1  }
0x20: {  	(erf) = vrcp.f32 v2  }
0x21: {  	(erf) = vrcp.f32 v3;
	_ =	sdelay $0x2  }
0x22: {  	v28 =	vld [tilespmem:$0x6500];
	_ =	sdelay $0x2  }
0x23: {  	v29 =	vpop (erf)  }
0x24: {  	v30 =	vpop (erf);
	[tilespmem:$0x6480] =	vst v29  }
0x25: {  	v31 =	vpop (erf);
	[tilespmem:$0x6490] =	vst v30  }
0x26: {  	[tilespmem:$0x64A0] =	vst v31;
	v32 =	vpop (erf)  }
0x27: {  	[tilespmem:$0x64B0] =	vst v32  }
0x28: {  	v1 =	vld.idx.msk [tilespmem:v28+s10+$0x0], $0xffff  }
0x29: {  	v33 =	vld [tilespmem:$0x6510]  }
0x2a: {  	v0 =	vld.idx.msk [tilespmem:v28+s12+$0x0], $0xffff;
	_ =	sdelay $0x2  }
0x2b: {  	v1 =	vsub.f32 $0.0e+00, v1;
	_ =	sdelay $0x1  }
0x2c: {  	v1 =	vmul.f32 v0, v1  }
0x2d: {  	[tilespmem:$0x6700] =	vst v0  }
0x2e: {  	[tilespmem:$0x6900] =	vst v1  }
0x2f: {  	v0 =	vld.idx.msk [tilespmem:v33+s10+$0x0], $0xffff  }
0x30: {  	v34 =	vld [tilespmem:$0x6520]  }
0x31: {  	v1 =	vld.idx.msk [tilespmem:v33+s12+$0x0], $0xffff;
	_ =	sdelay $0x2  }
0x32: {  	v0 =	vsub.f32 $0.0e+00, v0;
	_ =	sdelay $0x1  }
0x33: {  	v0 =	vmul.f32 v1, v0  }
0x34: {  	[tilespmem:$0x6710] =	vst v1  }
0x35: {  	[tilespmem:$0x6910] =	vst v0  }
0x36: {  	v0 =	vld.idx.msk [tilespmem:v34+s10+$0x0], $0xffff  }
0x37: {  	v35 =	vld [tilespmem:$0x6530]  }
0x38: {  	v1 =	vld.idx.msk [tilespmem:v34+s12+$0x0], $0xffff;
	_ =	sdelay $0x2  }
0x39: {  	v0 =	vsub.f32 $0.0e+00, v0;
	_ =	sdelay $0x1  }
0x3a: {  	v0 =	vmul.f32 v1, v0  }
0x3b: {  	[tilespmem:$0x6720] =	vst v1  }
0x3c: {  	[tilespmem:$0x6920] =	vst v0  }
0x3d: {  	v0 =	vld.idx.msk [tilespmem:v35+s10+$0x0], $0xffff  }
0x3e: {  	v36 =	vld [tilespmem:$0x6540]  }
0x3f: {  	v1 =	vld.idx.msk [tilespmem:v35+s12+$0x0], $0xffff;
	_ =	sdelay $0x2  }
0x40: {  	v0 =	vsub.f32 $0.0e+00, v0;
	_ =	sdelay $0x1  }
0x41: {  	v0 =	vmul.f32 v1, v0  }
0x42: {  	[tilespmem:$0x6730] =	vst v1  }
0x43: {  	[tilespmem:$0x6930] =	vst v0  }
0x44: {  	v0 =	vld.idx.msk [tilespmem:v36+s10+$0x0], $0xffff  }
0x45: {  	v37 =	vld [tilespmem:$0x6550]  }
0x46: {  	v1 =	vld.idx.msk [tilespmem:v36+s12+$0x0], $0xffff;
	_ =	sdelay $0x2  }
0x47: {  	v0 =	vsub.f32 $0.0e+00, v0;
	_ =	sdelay $0x1  }
0x48: {  	v0 =	vmul.f32 v1, v0  }
0x49: {  	[tilespmem:$0x6740] =	vst v1  }
0x4a: {  	[tilespmem:$0x6940] =	vst v0  }
0x4b: {  	v0 =	vld.idx.msk [tilespmem:v37+s10+$0x0], $0xffff  }
0x4c: {  	v38 =	vld [tilespmem:$0x6560]  }
0x4d: {  	v1 =	vld.idx.msk [tilespmem:v37+s12+$0x0], $0xffff;
	_ =	sdelay $0x2  }
0x4e: {  	v0 =	vsub.f32 $0.0e+00, v0;
	_ =	sdelay $0x1  }
0x4f: {  	v0 =	vmul.f32 v1, v0  }
0x50: {  	[tilespmem:$0x6750] =	vst v1  }
0x51: {  	[tilespmem:$0x6950] =	vst v0  }
0x52: {  	v0 =	vld.idx.msk [tilespmem:v38+s10+$0x0], $0xffff  }
0x53: {  	v39 =	vld [tilespmem:$0x6570]  }
0x54: {  	v1 =	vld.idx.msk [tilespmem:v38+s12+$0x0], $0xffff;
	_ =	sdelay $0x2  }
0x55: {  	v0 =	vsub.f32 $0.0e+00, v0;
	_ =	sdelay $0x1  }
0x56: {  	v0 =	vmul.f32 v1, v0  }
0x57: {  	[tilespmem:$0x6760] =	vst v1  }
0x58: {  	[tilespmem:$0x6960] =	vst v0  }
0x59: {  	v0 =	vld.idx.msk [tilespmem:v39+s10+$0x0], $0xffff  }
0x5a: {  	v40 =	vld [tilespmem:$0x6580]  }
0x5b: {  	v1 =	vld.idx.msk [tilespmem:v39+s12+$0x0], $0xffff;
	_ =	sdelay $0x2  }
0x5c: {  	v0 =	vsub.f32 $0.0e+00, v0;
	_ =	sdelay $0x1  }
0x5d: {  	v0 =	vmul.f32 v1, v0  }
0x5e: {  	[tilespmem:$0x6770] =	vst v1  }
0x5f: {  	[tilespmem:$0x6970] =	vst v0  }
0x60: {  	v0 =	vld.idx.msk [tilespmem:v40+s10+$0x0], $0xffff  }
0x61: {  	v41 =	vld [tilespmem:$0x6590]  }
0x62: {  	v1 =	vld.idx.msk [tilespmem:v40+s12+$0x0], $0xffff;
	_ =	sdelay $0x2  }
0x63: {  	v0 =	vsub.f32 $0.0e+00, v0;
	_ =	sdelay $0x1  }
0x64: {  	v0 =	vmul.f32 v1, v0  }
0x65: {  	[tilespmem:$0x6780] =	vst v1  }
0x66: {  	[tilespmem:$0x6980] =	vst v0  }
0x67: {  	v0 =	vld.idx.msk [tilespmem:v41+s10+$0x0], $0xffff  }
0x68: {  	v42 =	vld [tilespmem:$0x65A0]  }
0x69: {  	v1 =	vld.idx.msk [tilespmem:v41+s12+$0x0], $0xffff;
	_ =	sdelay $0x2  }
0x6a: {  	v0 =	vsub.f32 $0.0e+00, v0;
	_ =	sdelay $0x1  }
0x6b: {  	v0 =	vmul.f32 v1, v0  }
0x6c: {  	[tilespmem:$0x6790] =	vst v1  }
0x6d: {  	[tilespmem:$0x6990] =	vst v0  }
0x6e: {  	v0 =	vld.idx.msk [tilespmem:v42+s10+$0x0], $0xffff  }
0x6f: {  	v43 =	vld [tilespmem:$0x65B0]  }
0x70: {  	v1 =	vld.idx.msk [tilespmem:v42+s12+$0x0], $0xffff;
	_ =	sdelay $0x2  }
0x71: {  	v0 =	vsub.f32 $0.0e+00, v0;
	_ =	sdelay $0x1  }
0x72: {  	v0 =	vmul.f32 v1, v0  }
0x73: {  	[tilespmem:$0x67A0] =	vst v1  }
0x74: {  	[tilespmem:$0x69A0] =	vst v0  }
0x75: {  	v0 =	vld.idx.msk [tilespmem:v43+s10+$0x0], $0xffff  }
0x76: {  	v44 =	vld [tilespmem:$0x65C0]  }
0x77: {  	v1 =	vld.idx.msk [tilespmem:v43+s12+$0x0], $0xffff;
	_ =	sdelay $0x2  }
0x78: {  	v0 =	vsub.f32 $0.0e+00, v0;
	_ =	sdelay $0x1  }
0x79: {  	v0 =	vmul.f32 v1, v0  }
0x7a: {  	[tilespmem:$0x67B0] =	vst v1  }
0x7b: {  	[tilespmem:$0x69B0] =	vst v0  }
0x7c: {  	v0 =	vld.idx.msk [tilespmem:v44+s10+$0x0], $0xffff  }
0x7d: {  	v45 =	vld [tilespmem:$0x65D0]  }
0x7e: {  	v1 =	vld.idx.msk [tilespmem:v44+s12+$0x0], $0xffff;
	_ =	sdelay $0x2  }
0x7f: {  	v0 =	vsub.f32 $0.0e+00, v0;
	_ =	sdelay $0x1  }
0x80: {  	v0 =	vmul.f32 v1, v0  }
0x81: {  	[tilespmem:$0x67C0] =	vst v1  }
0x82: {  	[tilespmem:$0x69C0] =	vst v0  }
0x83: {  	v0 =	vld.idx.msk [tilespmem:v45+s10+$0x0], $0xffff  }
0x84: {  	v46 =	vld [tilespmem:$0x65E0]  }
0x85: {  	v1 =	vld.idx.msk [tilespmem:v45+s12+$0x0], $0xffff;
	_ =	sdelay $0x2  }
0x86: {  	v0 =	vsub.f32 $0.0e+00, v0;
	_ =	sdelay $0x1  }
0x87: {  	v0 =	vmul.f32 v1, v0  }
0x88: {  	[tilespmem:$0x67D0] =	vst v1  }
0x89: {  	[tilespmem:$0x69D0] =	vst v0  }
0x8a: {  	v0 =	vld.idx.msk [tilespmem:v46+s10+$0x0], $0xffff  }
0x8b: {  	v47 =	vld [tilespmem:$0x65F0]  }
0x8c: {  	v1 =	vld.idx.msk [tilespmem:v46+s12+$0x0], $0xffff;
	_ =	sdelay $0x2  }
0x8d: {  	v0 =	vsub.f32 $0.0e+00, v0;
	_ =	sdelay $0x1  }
0x8e: {  	v0 =	vmul.f32 v1, v0  }
0x8f: {  	[tilespmem:$0x67E0] =	vst v1  }
0x90: {  	[tilespmem:$0x69E0] =	vst v0  }
0x91: {  	v0 =	vld.idx.msk [tilespmem:v47+s10+$0x0], $0xffff  }
0x92: {  	v48 =	vld [tilespmem:$0x6600]  }
0x93: {  	v1 =	vld.idx.msk [tilespmem:v47+s12+$0x0], $0xffff;
	_ =	sdelay $0x2  }
0x94: {  	v0 =	vsub.f32 $0.0e+00, v0;
	_ =	sdelay $0x1  }
0x95: {  	v0 =	vmul.f32 v1, v0  }
0x96: {  	[tilespmem:$0x67F0] =	vst v1  }
0x97: {  	[tilespmem:$0x69F0] =	vst v0  }
0x98: {  	v0 =	vld.idx.msk [tilespmem:v48+s10+$0x0], $0xffff  }
0x99: {  	v49 =	vld [tilespmem:$0x6610]  }
0x9a: {  	v1 =	vld.idx.msk [tilespmem:v48+s12+$0x0], $0xffff;
	_ =	sdelay $0x2  }
0x9b: {  	v0 =	vsub.f32 $0.0e+00, v0;
	_ =	sdelay $0x1  }
0x9c: {  	v0 =	vmul.f32 v1, v0  }
0x9d: {  	[tilespmem:$0x6800] =	vst v1  }
0x9e: {  	[tilespmem:$0x6A00] =	vst v0  }
0x9f: {  	v0 =	vld.idx.msk [tilespmem:v49+s10+$0x0], $0xffff  }
0xa0: {  	v50 =	vld [tilespmem:$0x6620]  }
0xa1: {  	v1 =	vld.idx.msk [tilespmem:v49+s12+$0x0], $0xffff;
	_ =	sdelay $0x2  }
0xa2: {  	v0 =	vsub.f32 $0.0e+00, v0;
	_ =	sdelay $0x1  }
0xa3: {  	v0 =	vmul.f32 v1, v0  }
0xa4: {  	[tilespmem:$0x6810] =	vst v1  }
0xa5: {  	[tilespmem:$0x6A10] =	vst v0  }
0xa6: {  	v0 =	vld.idx.msk [tilespmem:v50+s10+$0x0], $0xffff  }
0xa7: {  	v51 =	vld [tilespmem:$0x6630]  }
0xa8: {  	v1 =	vld.idx.msk [tilespmem:v50+s12+$0x0], $0xffff;
	_ =	sdelay $0x2  }
0xa9: {  	v0 =	vsub.f32 $0.0e+00, v0;
	_ =	sdelay $0x1  }
0xaa: {  	v0 =	vmul.f32 v1, v0  }
0xab: {  	[tilespmem:$0x6820] =	vst v1  }
0xac: {  	[tilespmem:$0x6A20] =	vst v0  }
0xad: {  	v0 =	vld.idx.msk [tilespmem:v51+s10+$0x0], $0xffff  }
0xae: {  	v52 =	vld [tilespmem:$0x6640]  }
0xaf: {  	v1 =	vld.idx.msk [tilespmem:v51+s12+$0x0], $0xffff;
	_ =	sdelay $0x2  }
0xb0: {  	v0 =	vsub.f32 $0.0e+00, v0;
	_ =	sdelay $0x1  }
0xb1: {  	v0 =	vmul.f32 v1, v0  }
0xb2: {  	[tilespmem:$0x6830] =	vst v1  }
0xb3: {  	[tilespmem:$0x6A30] =	vst v0  }
0xb4: {  	v0 =	vld.idx.msk [tilespmem:v52+s10+$0x0], $0xffff  }
0xb5: {  	v53 =	vld [tilespmem:$0x6650]  }
0xb6: {  	v1 =	vld.idx.msk [tilespmem:v52+s12+$0x0], $0xffff;
	_ =	sdelay $0x2  }
0xb7: {  	v0 =	vsub.f32 $0.0e+00, v0;
	_ =	sdelay $0x1  }
0xb8: {  	v0 =	vmul.f32 v1, v0  }
0xb9: {  	[tilespmem:$0x6840] =	vst v1  }
0xba: {  	[tilespmem:$0x6A40] =	vst v0  }
0xbb: {  	v0 =	vld.idx.msk [tilespmem:v53+s10+$0x0], $0xffff  }
0xbc: {  	v54 =	vld [tilespmem:$0x6660]  }
0xbd: {  	v1 =	vld.idx.msk [tilespmem:v53+s12+$0x0], $0xffff;
	_ =	sdelay $0x2  }
0xbe: {  	v0 =	vsub.f32 $0.0e+00, v0;
	_ =	sdelay $0x1  }
0xbf: {  	v0 =	vmul.f32 v1, v0  }
0xc0: {  	[tilespmem:$0x6850] =	vst v1  }
0xc1: {  	[tilespmem:$0x6A50] =	vst v0  }
0xc2: {  	v0 =	vld.idx.msk [tilespmem:v54+s10+$0x0], $0xffff  }
0xc3: {  	v55 =	vld [tilespmem:$0x6670]  }
0xc4: {  	v1 =	vld.idx.msk [tilespmem:v54+s12+$0x0], $0xffff;
	_ =	sdelay $0x2  }
0xc5: {  	v0 =	vsub.f32 $0.0e+00, v0;
	_ =	sdelay $0x1  }
0xc6: {  	v0 =	vmul.f32 v1, v0  }
0xc7: {  	[tilespmem:$0x6860] =	vst v1  }
0xc8: {  	[tilespmem:$0x6A60] =	vst v0  }
0xc9: {  	v0 =	vld.idx.msk [tilespmem:v55+s10+$0x0], $0xffff  }
0xca: {  	v56 =	vld [tilespmem:$0x6680]  }
0xcb: {  	v1 =	vld.idx.msk [tilespmem:v55+s12+$0x0], $0xffff;
	_ =	sdelay $0x2  }
0xcc: {  	v0 =	vsub.f32 $0.0e+00, v0;
	_ =	sdelay $0x1  }
0xcd: {  	v0 =	vmul.f32 v1, v0  }
0xce: {  	[tilespmem:$0x6870] =	vst v1  }
0xcf: {  	[tilespmem:$0x6A70] =	vst v0  }
0xd0: {  	v0 =	vld.idx.msk [tilespmem:v56+s10+$0x0], $0xffff  }
0xd1: {  	v57 =	vld [tilespmem:$0x6690]  }
0xd2: {  	v1 =	vld.idx.msk [tilespmem:v56+s12+$0x0], $0xffff;
	_ =	sdelay $0x2  }
0xd3: {  	v0 =	vsub.f32 $0.0e+00, v0;
	_ =	sdelay $0x1  }
0xd4: {  	v0 =	vmul.f32 v1, v0  }
0xd5: {  	[tilespmem:$0x6880] =	vst v1  }
0xd6: {  	[tilespmem:$0x6A80] =	vst v0  }
0xd7: {  	v0 =	vld.idx.msk [tilespmem:v57+s10+$0x0], $0xffff  }
0xd8: {  	v58 =	vld [tilespmem:$0x66A0]  }
0xd9: {  	v1 =	vld.idx.msk [tilespmem:v57+s12+$0x0], $0xffff;
	_ =	sdelay $0x2  }
0xda: {  	v0 =	vsub.f32 $0.0e+00, v0;
	_ =	sdelay $0x1  }
0xdb: {  	v0 =	vmul.f32 v1, v0  }
0xdc: {  	[tilespmem:$0x6890] =	vst v1  }
0xdd: {  	[tilespmem:$0x6A90] =	vst v0  }
0xde: {  	v0 =	vld.idx.msk [tilespmem:v58+s10+$0x0], $0xffff  }
0xdf: {  	v59 =	vld [tilespmem:$0x66B0]  }
0xe0: {  	v1 =	vld.idx.msk [tilespmem:v58+s12+$0x0], $0xffff;
	_ =	sdelay $0x2  }
0xe1: {  	v0 =	vsub.f32 $0.0e+00, v0;
	_ =	sdelay $0x1  }
0xe2: {  	v0 =	vmul.f32 v1, v0  }
0xe3: {  	[tilespmem:$0x68A0] =	vst v1  }
0xe4: {  	[tilespmem:$0x6AA0] =	vst v0  }
0xe5: {  	v0 =	vld.idx.msk [tilespmem:v59+s10+$0x0], $0xffff  }
0xe6: {  	v60 =	vld [tilespmem:$0x66C0]  }
0xe7: {  	v1 =	vld.idx.msk [tilespmem:v59+s12+$0x0], $0xffff;
	_ =	sdelay $0x2  }
0xe8: {  	v0 =	vsub.f32 $0.0e+00, v0;
	_ =	sdelay $0x1  }
0xe9: {  	v0 =	vmul.f32 v1, v0  }
0xea: {  	[tilespmem:$0x68B0] =	vst v1  }
0xeb: {  	[tilespmem:$0x6AB0] =	vst v0  }
0xec: {  	v0 =	vld.idx.msk [tilespmem:v60+s10+$0x0], $0xffff  }
0xed: {  	v61 =	vld [tilespmem:$0x66D0]  }
0xee: {  	v1 =	vld.idx.msk [tilespmem:v60+s12+$0x0], $0xffff;
	_ =	sdelay $0x2  }
0xef: {  	v0 =	vsub.f32 $0.0e+00, v0;
	_ =	sdelay $0x1  }
0xf0: {  	v0 =	vmul.f32 v1, v0  }
0xf1: {  	[tilespmem:$0x68C0] =	vst v1  }
0xf2: {  	[tilespmem:$0x6AC0] =	vst v0  }
0xf3: {  	v0 =	vld.idx.msk [tilespmem:v61+s10+$0x0], $0xffff  }
0xf4: {  	v62 =	vld [tilespmem:$0x66E0]  }
0xf5: {  	v1 =	vld.idx.msk [tilespmem:v61+s12+$0x0], $0xffff;
	_ =	sdelay $0x2  }
0xf6: {  	v0 =	vsub.f32 $0.0e+00, v0;
	_ =	sdelay $0x1  }
0xf7: {  	v0 =	vmul.f32 v1, v0  }
0xf8: {  	[tilespmem:$0x68D0] =	vst v1  }
0xf9: {  	[tilespmem:$0x6AD0] =	vst v0  }
0xfa: {  	v0 =	vld.idx.msk [tilespmem:v62+s10+$0x0], $0xffff  }
0xfb: {  	v63 =	vld [tilespmem:$0x66F0]  }
0xfc: {  	v1 =	vld.idx.msk [tilespmem:v62+s12+$0x0], $0xffff;
	_ =	sdelay $0x2  }
0xfd: {  	v0 =	vsub.f32 $0.0e+00, v0;
	_ =	sdelay $0x1  }
0xfe: {  	v0 =	vmul.f32 v1, v0  }
0xff: {  	[tilespmem:$0x68E0] =	vst v1  }
0x100: {  	[tilespmem:$0x6AE0] =	vst v0  }
0x101: {  	v0 =	vld.idx.msk [tilespmem:v63+s10+$0x0], $0xffff;
	_ =	sdelay $0x1  }
0x102: {  	v1 =	vld.idx.msk [tilespmem:v63+s12+$0x0], $0xffff;
	_ =	sdelay $0x2  }
0x103: {  	v0 =	vsub.f32 $0.0e+00, v0;
	_ =	sdelay $0x1  }
0x104: {  	v0 =	vmul.f32 v1, v0  }
0x105: {  	[tilespmem:$0x68F0] =	vst v1  }
0x106: {  	s18 =	simm.s32 $0x0;
	s19 =	simm.s32 $0x0;
	[tilespmem:$0x6AF0] =	vst v0  }
.LBB2_2:
0x107: {  	s20 =	sshll.u32 s19, $0x6  }
0x108: {  	s20 =	sor.u32 s6, s20  }
0x109: {  	s20 =	smul.u32 $0x19, s20;
	_ =	sdelay $0x1  }
0x10a: {  	s23 =	simm.s32 $0x0;
	v0 =	vmov s18;
	s21 =	sadd.s32 s1, s20  }
0x10b: {  	[tilespmem:s23], [sflag:$0x1] =	stream.linear.gather [hbm4b:s21+s23], $0x3200, $0x38;
	[tilespmem:$0x6B00] =	vst v63  }
0x10c: {  	_ =	swait.ge [sflag:s11], $0x3200  }
0x10d: {  	[sflag:s11] =	ssyncset.done $0x0  }
0x10e: {  	[sflag:s11] =	ssyncadd.s32 $0xFFFFCE00  }
0x10f: {  	s21 =	simm.s32 $0xC0;
	v1 =	vld.idx.msk [tilespmem:v0+s14+$0x0], $0xffff  }
0x110: {  	v2 =	vld [tilespmem:s21+$0xFFFFFF40];
	_ =	sdelay $0x1  }
0x111: {  	v3 =	vor.u32 $0x1, v0;
	v0 =	vld.idx.msk [tilespmem:v0+s15+$0x0], $0xffff;
	_ =	sdelay $0x2  }
0x112: {  	v2 =	vmul.f32 v2, v1;
	_ =	sdelay $0x1  }
0x113: {  	v2 =	vadd.f32 v2, v0  }
0x114: {  	s22 =	simm.s32 $0x32C0;
	v4 =	vld.idx.msk [tilespmem:v3+s15+$0x0], $0xffff  }
0x115: {  	v3 =	vld.idx.msk [tilespmem:v3+s14+$0x0], $0xffff;
	[tilespmem:s22+$0xFFFFFF40] =	vst v2  }
0x116: {  	v2 =	vld [tilespmem:s21+$0xFFFFFF50];
	_ =	sdelay $0x4  }
0x117: {  	v2 =	vmul.f32 v2, v1;
	_ =	sdelay $0x1  }
0x118: {  	v2 =	vadd.f32 v2, v0;
	_ =	sdelay $0x1  }
0x119: {  	[tilespmem:s22+$0xFFFFFF50] =	vst v2  }
0x11a: {  	v2 =	vld [tilespmem:s21+$0xFFFFFF60];
	_ =	sdelay $0x4  }
0x11b: {  	v2 =	vmul.f32 v2, v1;
	_ =	sdelay $0x1  }
0x11c: {  	v2 =	vadd.f32 v2, v0;
	_ =	sdelay $0x1  }
0x11d: {  	[tilespmem:s22+$0xFFFFFF60] =	vst v2  }
0x11e: {  	v2 =	vld [tilespmem:s21+$0xFFFFFF70];
	_ =	sdelay $0x4  }
0x11f: {  	v2 =	vmul.f32 v2, v1;
	_ =	sdelay $0x1  }
0x120: {  	v2 =	vadd.f32 v2, v0;
	_ =	sdelay $0x1  }
0x121: {  	[tilespmem:s22+$0xFFFFFF70] =	vst v2  }
0x122: {  	v2 =	vld [tilespmem:s21+$0xFFFFFF80];
	_ =	sdelay $0x4  }
0x123: {  	v2 =	vmul.f32 v2, v1;
	_ =	sdelay $0x1  }
0x124: {  	v2 =	vadd.f32 v2, v0;
	_ =	sdelay $0x1  }
0x125: {  	[tilespmem:s22+$0xFFFFFF80] =	vst v2  }
0x126: {  	v2 =	vld [tilespmem:s21+$0xFFFFFF90];
	_ =	sdelay $0x4  }
0x127: {  	v2 =	vmul.f32 v2, v1;
	_ =	sdelay $0x1  }
0x128: {  	v2 =	vadd.f32 v2, v0;
	_ =	sdelay $0x1  }
0x129: {  	[tilespmem:s22+$0xFFFFFF90] =	vst v2  }
0x12a: {  	v2 =	vld [tilespmem:s21+$0xFFFFFFA0];
	_ =	sdelay $0x4  }
0x12b: {  	v2 =	vmul.f32 v2, v1;
	_ =	sdelay $0x1  }
0x12c: {  	v2 =	vadd.f32 v2, v0;
	_ =	sdelay $0x1  }
0x12d: {  	[tilespmem:s22+$0xFFFFFFA0] =	vst v2  }
0x12e: {  	v2 =	vld [tilespmem:s21+$0xFFFFFFB0];
	_ =	sdelay $0x4  }
0x12f: {  	v2 =	vmul.f32 v2, v1;
	_ =	sdelay $0x1  }
0x130: {  	v2 =	vadd.f32 v2, v0;
	_ =	sdelay $0x1  }
0x131: {  	s26 =	sand.u32 $0x3FF0, s23;
	[tilespmem:s22+$0xFFFFFFB0] =	vst v2  }
0x132: {  	v2 =	vld [tilespmem:s26+$0x80];
	_ =	sdelay $0x4  }
0x133: {  	v2 =	vmul.f32 v2, v1;
	_ =	sdelay $0x1  }
0x134: {  	v2 =	vadd.f32 v2, v0;
	_ =	sdelay $0x1  }
0x135: {  	[tilespmem:s26+$0x3280] =	vst v2  }
0x136: {  	v2 =	vld [tilespmem:s21+$0xFFFFFFD0];
	_ =	sdelay $0x4  }
0x137: {  	v2 =	vmul.f32 v2, v1;
	_ =	sdelay $0x1  }
0x138: {  	v2 =	vadd.f32 v2, v0;
	_ =	sdelay $0x1  }
0x139: {  	[tilespmem:s22+$0xFFFFFFD0] =	vst v2  }
0x13a: {  	v2 =	vld [tilespmem:s21+$0xFFFFFFE0];
	_ =	sdelay $0x4  }
0x13b: {  	v2 =	vmul.f32 v2, v1;
	_ =	sdelay $0x1  }
0x13c: {  	v2 =	vadd.f32 v2, v0;
	_ =	sdelay $0x1  }
0x13d: {  	[tilespmem:s22+$0xFFFFFFE0] =	vst v2  }
0x13e: {  	v2 =	vld [tilespmem:s21+$0xFFFFFFF0];
	_ =	sdelay $0x4  }
0x13f: {  	v2 =	vmul.f32 v2, v1;
	_ =	sdelay $0x1  }
0x140: {  	v2 =	vadd.f32 v2, v0;
	_ =	sdelay $0x1  }
0x141: {  	[tilespmem:s22+$0xFFFFFFF0] =	vst v2  }
0x142: {  	v2 =	vld [tilespmem:s21+$0x0];
	_ =	sdelay $0x3  }
0x143: {  	v1 =	vsel vm0, v1, v3  }
0x144: {  	v1 =	vmul.f32 v2, v1  }
0x145: {  	v0 =	vsel vm0, v0, v4  }
0x146: {  	v0 =	vadd.f32 v1, v0;
	_ =	sdelay $0x1  }
0x147: {  	[tilespmem:s22+$0x0] =	vst v0  }
0x148: {  	v0 =	vld [tilespmem:s21+$0x10];
	_ =	sdelay $0x4  }
0x149: {  	v0 =	vmul.f32 v0, v3;
	_ =	sdelay $0x1  }
0x14a: {  	v0 =	vadd.f32 v0, v4;
	_ =	sdelay $0x1  }
0x14b: {  	[tilespmem:s22+$0x10] =	vst v0  }
0x14c: {  	v0 =	vld [tilespmem:s21+$0x20];
	_ =	sdelay $0x4  }
0x14d: {  	v0 =	vmul.f32 v0, v3;
	_ =	sdelay $0x1  }
0x14e: {  	v0 =	vadd.f32 v0, v4;
	_ =	sdelay $0x1  }
0x14f: {  	[tilespmem:s22+$0x20] =	vst v0  }
0x150: {  	v0 =	vld [tilespmem:s21+$0x30];
	_ =	sdelay $0x4  }
0x151: {  	v0 =	vmul.f32 v0, v3;
	_ =	sdelay $0x1  }
0x152: {  	v0 =	vadd.f32 v0, v4;
	_ =	sdelay $0x1  }
0x153: {  	[tilespmem:s22+$0x30] =	vst v0  }
0x154: {  	v0 =	vld [tilespmem:s26+$0x100];
	_ =	sdelay $0x4  }
0x155: {  	v0 =	vmul.f32 v0, v3;
	_ =	sdelay $0x1  }
0x156: {  	v0 =	vadd.f32 v0, v4;
	_ =	sdelay $0x1  }
0x157: {  	[tilespmem:s26+$0x3300] =	vst v0  }
0x158: {  	v0 =	vld [tilespmem:s21+$0x50];
	_ =	sdelay $0x4  }
0x159: {  	v0 =	vmul.f32 v0, v3;
	_ =	sdelay $0x1  }
0x15a: {  	v0 =	vadd.f32 v0, v4;
	_ =	sdelay $0x1  }
0x15b: {  	[tilespmem:s22+$0x50] =	vst v0  }
0x15c: {  	v0 =	vld [tilespmem:s21+$0x60];
	_ =	sdelay $0x4  }
0x15d: {  	v0 =	vmul.f32 v0, v3;
	_ =	sdelay $0x1  }
0x15e: {  	v0 =	vadd.f32 v0, v4;
	_ =	sdelay $0x1  }
0x15f: {  	[tilespmem:s22+$0x60] =	vst v0  }
0x160: {  	v0 =	vld [tilespmem:s21+$0x70];
	_ =	sdelay $0x4  }
0x161: {  	v0 =	vmul.f32 v0, v3;
	_ =	sdelay $0x1  }
0x162: {  	v0 =	vadd.f32 v0, v4;
	_ =	sdelay $0x1  }
0x163: {  	[tilespmem:s22+$0x70] =	vst v0  }
0x164: {  	v0 =	vld [tilespmem:s21+$0x80];
	_ =	sdelay $0x4  }
0x165: {  	v0 =	vmul.f32 v0, v3;
	_ =	sdelay $0x1  }
0x166: {  	v0 =	vadd.f32 v0, v4;
	_ =	sdelay $0x1  }
0x167: {  	[tilespmem:s22+$0x80] =	vst v0  }
0x168: {  	v0 =	vld [tilespmem:s21+$0x90];
	_ =	sdelay $0x4  }
0x169: {  	v0 =	vmul.f32 v0, v3;
	_ =	sdelay $0x1  }
0x16a: {  	v0 =	vadd.f32 v0, v4;
	_ =	sdelay $0x1  }
0x16b: {  	[tilespmem:s22+$0x90] =	vst v0  }
0x16c: {  	v0 =	vld [tilespmem:s21+$0xA0];
	_ =	sdelay $0x4  }
0x16d: {  	v0 =	vmul.f32 v0, v3;
	_ =	sdelay $0x1  }
0x16e: {  	v0 =	vadd.f32 v0, v4;
	_ =	sdelay $0x1  }
0x16f: {  	[tilespmem:s22+$0xA0] =	vst v0  }
0x170: {  	v0 =	vld [tilespmem:s21+$0xB0];
	_ =	sdelay $0x4  }
0x171: {  	v0 =	vmul.f32 v0, v3;
	_ =	sdelay $0x1  }
0x172: {  	v0 =	vadd.f32 v0, v4;
	_ =	sdelay $0x1  }
0x173: {  	[tilespmem:s22+$0xB0] =	vst v0  }
0x174: {  	v0 =	vld [tilespmem:s26+$0x180];
	_ =	sdelay $0x3  }
0x175: {  	s24 =	sadd.s32 $0x2, s18  }
0x176: {  	v0 =	vmul.f32 v0, v3;
	v3 =	vmov s24;
	_ =	sdelay $0x1  }
0x177: {  	s25 =	simm.s32 $0x320;
	s23 =	simm.s32 $0x190;
	v1 =	vor.u32 $0x1, v3;
	v0 =	vadd.f32 v0, v4  }
.LBB2_3:
0x178: {  	_ = 	snop  }
0x179: {  	p0 =	sne.s32 s25, $0x3070;
	s22 =	sadd.s32 $0x190, s22;
	s21 =	sadd.s32 $0x190, s21;
	[tilespmem:s26+$0x3380] =	vst v0  }
0x17a: {  	s28 =	smov.u32 s25;
	s25 =	sadd.s32 $0x190, s25;
	v2 =	vld.idx.msk [tilespmem:v3+s14+$0x0], $0xffff  }
0x17b: {  	v0 =	vld [tilespmem:s21+$0xFFFFFF40]  }
0x17c: {  	v3 =	vld.idx.msk [tilespmem:v3+s15+$0x0], $0xffff;
	_ =	sdelay $0x3  }
0x17d: {  	v4 =	vmul.f32 v0, v2;
	_ =	sdelay $0x1  }
0x17e: {  	v0 =	vld.idx.msk [tilespmem:v1+s15+$0x0], $0xffff;
	v4 =	vadd.f32 v4, v3  }
0x17f: {  	v1 =	vld.idx.msk [tilespmem:v1+s14+$0x0], $0xffff  }
0x180: {  	[tilespmem:s22+$0xFFFFFF40] =	vst v4  }
0x181: {  	v6 =	vld [tilespmem:s21+$0xFFFFFF50];
	_ =	sdelay $0x2  }
0x182: {  	v4 =	vsel vm0, v3, v0  }
0x183: {  	v5 =	vsel vm0, v2, v1  }
0x184: {  	v6 =	vmul.f32 v6, v2;
	_ =	sdelay $0x1  }
0x185: {  	v6 =	vadd.f32 v6, v3;
	_ =	sdelay $0x1  }
0x186: {  	[tilespmem:s22+$0xFFFFFF50] =	vst v6  }
0x187: {  	v6 =	vld [tilespmem:s21+$0xFFFFFF60];
	_ =	sdelay $0x4  }
0x188: {  	v6 =	vmul.f32 v6, v2;
	_ =	sdelay $0x1  }
0x189: {  	v6 =	vadd.f32 v6, v3;
	_ =	sdelay $0x1  }
0x18a: {  	[tilespmem:s22+$0xFFFFFF60] =	vst v6  }
0x18b: {  	v6 =	vld [tilespmem:s21+$0xFFFFFF70];
	_ =	sdelay $0x4  }
0x18c: {  	v6 =	vmul.f32 v6, v2;
	_ =	sdelay $0x1  }
0x18d: {  	v6 =	vadd.f32 v6, v3;
	_ =	sdelay $0x1  }
0x18e: {  	[tilespmem:s22+$0xFFFFFF70] =	vst v6  }
0x18f: {  	v6 =	vld [tilespmem:s21+$0xFFFFFF80];
	_ =	sdelay $0x4  }
0x190: {  	v6 =	vmul.f32 v6, v2;
	_ =	sdelay $0x1  }
0x191: {  	v6 =	vadd.f32 v6, v3;
	_ =	sdelay $0x1  }
0x192: {  	[tilespmem:s22+$0xFFFFFF80] =	vst v6  }
0x193: {  	v6 =	vld [tilespmem:s21+$0xFFFFFF90];
	_ =	sdelay $0x4  }
0x194: {  	v6 =	vmul.f32 v6, v2;
	_ =	sdelay $0x1  }
0x195: {  	v6 =	vadd.f32 v6, v3;
	_ =	sdelay $0x1  }
0x196: {  	[tilespmem:s22+$0xFFFFFF90] =	vst v6  }
0x197: {  	v6 =	vld [tilespmem:s21+$0xFFFFFFA0];
	_ =	sdelay $0x4  }
0x198: {  	v6 =	vmul.f32 v6, v2;
	_ =	sdelay $0x1  }
0x199: {  	v6 =	vadd.f32 v6, v3;
	_ =	sdelay $0x1  }
0x19a: {  	[tilespmem:s22+$0xFFFFFFA0] =	vst v6  }
0x19b: {  	v6 =	vld [tilespmem:s21+$0xFFFFFFB0];
	_ =	sdelay $0x4  }
0x19c: {  	v6 =	vmul.f32 v6, v2;
	_ =	sdelay $0x1  }
0x19d: {  	v6 =	vadd.f32 v6, v3;
	_ =	sdelay $0x1  }
0x19e: {  	s26 =	sand.u32 $0x3FF0, s23;
	s23 =	smov.u32 s28;
	[tilespmem:s22+$0xFFFFFFB0] =	vst v6  }
0x19f: {  	v6 =	vld [tilespmem:s26+$0x80];
	_ =	sdelay $0x4  }
0x1a0: {  	v6 =	vmul.f32 v6, v2;
	_ =	sdelay $0x1  }
0x1a1: {  	v6 =	vadd.f32 v6, v3;
	_ =	sdelay $0x1  }
0x1a2: {  	[tilespmem:s26+$0x3280] =	vst v6  }
0x1a3: {  	v6 =	vld [tilespmem:s21+$0xFFFFFFD0];
	_ =	sdelay $0x4  }
0x1a4: {  	v6 =	vmul.f32 v6, v2;
	_ =	sdelay $0x1  }
0x1a5: {  	v6 =	vadd.f32 v6, v3;
	_ =	sdelay $0x1  }
0x1a6: {  	[tilespmem:s22+$0xFFFFFFD0] =	vst v6  }
0x1a7: {  	v6 =	vld [tilespmem:s21+$0xFFFFFFE0];
	_ =	sdelay $0x4  }
0x1a8: {  	v6 =	vmul.f32 v6, v2;
	_ =	sdelay $0x1  }
0x1a9: {  	v6 =	vadd.f32 v6, v3;
	_ =	sdelay $0x1  }
0x1aa: {  	[tilespmem:s22+$0xFFFFFFE0] =	vst v6  }
0x1ab: {  	v6 =	vld [tilespmem:s21+$0xFFFFFFF0];
	_ =	sdelay $0x4  }
0x1ac: {  	v2 =	vmul.f32 v6, v2;
	_ =	sdelay $0x1  }
0x1ad: {  	v2 =	vadd.f32 v2, v3;
	_ =	sdelay $0x1  }
0x1ae: {  	[tilespmem:s22+$0xFFFFFFF0] =	vst v2  }
0x1af: {  	v2 =	vld [tilespmem:s21+$0x0];
	_ =	sdelay $0x4  }
0x1b0: {  	v2 =	vmul.f32 v2, v5;
	_ =	sdelay $0x1  }
0x1b1: {  	v2 =	vadd.f32 v2, v4;
	_ =	sdelay $0x1  }
0x1b2: {  	[tilespmem:s22+$0x0] =	vst v2  }
0x1b3: {  	v2 =	vld [tilespmem:s21+$0x10];
	_ =	sdelay $0x4  }
0x1b4: {  	v2 =	vmul.f32 v2, v1;
	_ =	sdelay $0x1  }
0x1b5: {  	v2 =	vadd.f32 v2, v0;
	_ =	sdelay $0x1  }
0x1b6: {  	[tilespmem:s22+$0x10] =	vst v2  }
0x1b7: {  	v2 =	vld [tilespmem:s21+$0x20];
	_ =	sdelay $0x4  }
0x1b8: {  	v2 =	vmul.f32 v2, v1;
	_ =	sdelay $0x1  }
0x1b9: {  	v2 =	vadd.f32 v2, v0;
	_ =	sdelay $0x1  }
0x1ba: {  	[tilespmem:s22+$0x20] =	vst v2  }
0x1bb: {  	v2 =	vld [tilespmem:s21+$0x30];
	_ =	sdelay $0x4  }
0x1bc: {  	v2 =	vmul.f32 v2, v1;
	_ =	sdelay $0x1  }
0x1bd: {  	v2 =	vadd.f32 v2, v0;
	_ =	sdelay $0x1  }
0x1be: {  	[tilespmem:s22+$0x30] =	vst v2  }
0x1bf: {  	v2 =	vld [tilespmem:s26+$0x100];
	_ =	sdelay $0x4  }
0x1c0: {  	v2 =	vmul.f32 v2, v1;
	_ =	sdelay $0x1  }
0x1c1: {  	v2 =	vadd.f32 v2, v0;
	_ =	sdelay $0x1  }
0x1c2: {  	[tilespmem:s26+$0x3300] =	vst v2  }
0x1c3: {  	v2 =	vld [tilespmem:s21+$0x50];
	_ =	sdelay $0x4  }
0x1c4: {  	v2 =	vmul.f32 v2, v1;
	_ =	sdelay $0x1  }
0x1c5: {  	v2 =	vadd.f32 v2, v0;
	_ =	sdelay $0x1  }
0x1c6: {  	[tilespmem:s22+$0x50] =	vst v2  }
0x1c7: {  	v2 =	vld [tilespmem:s21+$0x60];
	_ =	sdelay $0x4  }
0x1c8: {  	v2 =	vmul.f32 v2, v1;
	_ =	sdelay $0x1  }
0x1c9: {  	v2 =	vadd.f32 v2, v0;
	_ =	sdelay $0x1  }
0x1ca: {  	[tilespmem:s22+$0x60] =	vst v2  }
0x1cb: {  	v2 =	vld [tilespmem:s21+$0x70];
	_ =	sdelay $0x4  }
0x1cc: {  	v2 =	vmul.f32 v2, v1;
	_ =	sdelay $0x1  }
0x1cd: {  	v2 =	vadd.f32 v2, v0;
	_ =	sdelay $0x1  }
0x1ce: {  	[tilespmem:s22+$0x70] =	vst v2  }
0x1cf: {  	v2 =	vld [tilespmem:s21+$0x80];
	_ =	sdelay $0x4  }
0x1d0: {  	v2 =	vmul.f32 v2, v1;
	_ =	sdelay $0x1  }
0x1d1: {  	v2 =	vadd.f32 v2, v0;
	_ =	sdelay $0x1  }
0x1d2: {  	[tilespmem:s22+$0x80] =	vst v2  }
0x1d3: {  	v2 =	vld [tilespmem:s21+$0x90];
	_ =	sdelay $0x4  }
0x1d4: {  	v2 =	vmul.f32 v2, v1;
	_ =	sdelay $0x1  }
0x1d5: {  	v2 =	vadd.f32 v2, v0;
	_ =	sdelay $0x1  }
0x1d6: {  	[tilespmem:s22+$0x90] =	vst v2  }
0x1d7: {  	v2 =	vld [tilespmem:s21+$0xA0];
	_ =	sdelay $0x4  }
0x1d8: {  	v2 =	vmul.f32 v2, v1;
	_ =	sdelay $0x1  }
0x1d9: {  	v2 =	vadd.f32 v2, v0;
	_ =	sdelay $0x1  }
0x1da: {  	[tilespmem:s22+$0xA0] =	vst v2  }
0x1db: {  	v2 =	vld [tilespmem:s21+$0xB0];
	_ =	sdelay $0x4  }
0x1dc: {  	v2 =	vmul.f32 v2, v1;
	_ =	sdelay $0x1  }
0x1dd: {  	v2 =	vadd.f32 v2, v0;
	_ =	sdelay $0x1  }
0x1de: {  	[tilespmem:s22+$0xB0] =	vst v2  }
0x1df: {  	v2 =	vld [tilespmem:s26+$0x180];
	_ =	sdelay $0x2  }
.Ltmp0:
0x1e0: {  	(pc) =	sbr.rel @p0 .LBB2_3-.Ltmp0, $4  }
0x1e1: {  	s24 =	sadd.s32 $0x2, s24  }
0x1e2: {  	v3 =	vmov s24;
	v2 =	vmul.f32 v2, v1  }
0x1e3: {  	v1 =	vor.u32 $0x1, v3  }
0x1e4: {  	v0 =	vadd.f32 v2, v0  }
0x1e5: {  	_ =	sdelay $0x2  }
0x1e6: {  	[tilespmem:s26+$0x3380] =	vst v0  }
0x1e7: {  	s21 =	sadd.s32 $0x190, s21;
	v0 =	vld.idx.msk [tilespmem:v3+s14+$0x0], $0xffff  }
0x1e8: {  	v2 =	vld [tilespmem:s21+$0xFFFFFF40];
	_ =	sdelay $0x1  }
0x1e9: {  	v61 =	vld.idx.msk [tilespmem:v3+s15+$0x0], $0xffff;
	_ =	sdelay $0x2  }
0x1ea: {  	v2 =	vmul.f32 v2, v0;
	_ =	sdelay $0x1  }
0x1eb: {  	v2 =	vadd.f32 v2, v61  }
0x1ec: {  	s22 =	sadd.s32 $0x190, s22;
	v4 =	vld.idx.msk [tilespmem:v1+s15+$0x0], $0xffff  }
0x1ed: {  	v62 =	vld.idx.msk [tilespmem:v1+s14+$0x0], $0xffff;
	[tilespmem:s22+$0xFFFFFF40] =	vst v2  }
0x1ee: {  	v2 =	vld [tilespmem:s21+$0xFFFFFF50];
	_ =	sdelay $0x4  }
0x1ef: {  	v2 =	vmul.f32 v2, v0;
	_ =	sdelay $0x1  }
0x1f0: {  	v2 =	vadd.f32 v2, v61;
	_ =	sdelay $0x1  }
0x1f1: {  	[tilespmem:s22+$0xFFFFFF50] =	vst v2  }
0x1f2: {  	v2 =	vld [tilespmem:s21+$0xFFFFFF60];
	_ =	sdelay $0x4  }
0x1f3: {  	v2 =	vmul.f32 v2, v0;
	_ =	sdelay $0x1  }
0x1f4: {  	v2 =	vadd.f32 v2, v61;
	_ =	sdelay $0x1  }
0x1f5: {  	[tilespmem:s22+$0xFFFFFF60] =	vst v2  }
0x1f6: {  	v2 =	vld [tilespmem:s21+$0xFFFFFF70];
	_ =	sdelay $0x4  }
0x1f7: {  	v2 =	vmul.f32 v2, v0;
	_ =	sdelay $0x1  }
0x1f8: {  	v2 =	vadd.f32 v2, v61;
	_ =	sdelay $0x1  }
0x1f9: {  	[tilespmem:s22+$0xFFFFFF70] =	vst v2  }
0x1fa: {  	v2 =	vld [tilespmem:s21+$0xFFFFFF80];
	_ =	sdelay $0x4  }
0x1fb: {  	v2 =	vmul.f32 v2, v0;
	_ =	sdelay $0x1  }
0x1fc: {  	v2 =	vadd.f32 v2, v61;
	_ =	sdelay $0x1  }
0x1fd: {  	[tilespmem:s22+$0xFFFFFF80] =	vst v2  }
0x1fe: {  	v2 =	vld [tilespmem:s21+$0xFFFFFF90];
	_ =	sdelay $0x4  }
0x1ff: {  	v2 =	vmul.f32 v2, v0;
	_ =	sdelay $0x1  }
0x200: {  	v2 =	vadd.f32 v2, v61;
	_ =	sdelay $0x1  }
0x201: {  	[tilespmem:s22+$0xFFFFFF90] =	vst v2  }
0x202: {  	v2 =	vld [tilespmem:s21+$0xFFFFFFA0];
	_ =	sdelay $0x4  }
0x203: {  	v2 =	vmul.f32 v2, v0;
	_ =	sdelay $0x1  }
0x204: {  	v2 =	vadd.f32 v2, v61;
	_ =	sdelay $0x1  }
0x205: {  	[tilespmem:s22+$0xFFFFFFA0] =	vst v2  }
0x206: {  	v2 =	vld [tilespmem:s21+$0xFFFFFFB0];
	_ =	sdelay $0x4  }
0x207: {  	v2 =	vmul.f32 v2, v0;
	_ =	sdelay $0x1  }
0x208: {  	v2 =	vadd.f32 v2, v61;
	_ =	sdelay $0x1  }
0x209: {  	s23 =	sand.u32 $0x3FF0, s23;
	[tilespmem:s22+$0xFFFFFFB0] =	vst v2  }
0x20a: {  	v2 =	vld [tilespmem:s23+$0x80];
	_ =	sdelay $0x4  }
0x20b: {  	v2 =	vmul.f32 v2, v0;
	_ =	sdelay $0x1  }
0x20c: {  	v2 =	vadd.f32 v2, v61;
	_ =	sdelay $0x1  }
0x20d: {  	[tilespmem:s23+$0x3280] =	vst v2  }
0x20e: {  	v2 =	vld [tilespmem:s21+$0xFFFFFFD0];
	_ =	sdelay $0x4  }
0x20f: {  	v2 =	vmul.f32 v2, v0;
	_ =	sdelay $0x1  }
0x210: {  	v2 =	vadd.f32 v2, v61;
	_ =	sdelay $0x1  }
0x211: {  	[tilespmem:s22+$0xFFFFFFD0] =	vst v2  }
0x212: {  	v2 =	vld [tilespmem:s21+$0xFFFFFFE0];
	_ =	sdelay $0x4  }
0x213: {  	v2 =	vmul.f32 v2, v0;
	_ =	sdelay $0x1  }
0x214: {  	v2 =	vadd.f32 v2, v61;
	_ =	sdelay $0x1  }
0x215: {  	[tilespmem:s22+$0xFFFFFFE0] =	vst v2  }
0x216: {  	v2 =	vld [tilespmem:s21+$0xFFFFFFF0];
	_ =	sdelay $0x4  }
0x217: {  	v2 =	vmul.f32 v2, v0;
	_ =	sdelay $0x1  }
0x218: {  	v2 =	vadd.f32 v2, v61;
	_ =	sdelay $0x1  }
0x219: {  	[tilespmem:s22+$0xFFFFFFF0] =	vst v2  }
0x21a: {  	v2 =	vld [tilespmem:s21+$0x0];
	_ =	sdelay $0x3  }
0x21b: {  	v0 =	vsel vm0, v0, v62  }
0x21c: {  	v0 =	vmul.f32 v2, v0  }
0x21d: {  	v63 =	vsel vm0, v61, v4  }
0x21e: {  	v0 =	vadd.f32 v0, v63;
	_ =	sdelay $0x1  }
0x21f: {  	[tilespmem:s22+$0x0] =	vst v0  }
0x220: {  	v0 =	vld [tilespmem:s21+$0x10];
	_ =	sdelay $0x4  }
0x221: {  	v0 =	vmul.f32 v0, v62;
	_ =	sdelay $0x1  }
0x222: {  	v0 =	vadd.f32 v0, v4;
	_ =	sdelay $0x1  }
0x223: {  	[tilespmem:s22+$0x10] =	vst v0  }
0x224: {  	v0 =	vld [tilespmem:s21+$0x20];
	_ =	sdelay $0x4  }
0x225: {  	v0 =	vmul.f32 v0, v62;
	_ =	sdelay $0x1  }
0x226: {  	v0 =	vadd.f32 v0, v4;
	_ =	sdelay $0x1  }
0x227: {  	[tilespmem:s22+$0x20] =	vst v0  }
0x228: {  	v0 =	vld [tilespmem:s21+$0x30];
	_ =	sdelay $0x4  }
0x229: {  	v0 =	vmul.f32 v0, v62;
	_ =	sdelay $0x1  }
0x22a: {  	v0 =	vadd.f32 v0, v4;
	_ =	sdelay $0x1  }
0x22b: {  	[tilespmem:s22+$0x30] =	vst v0  }
0x22c: {  	v0 =	vld [tilespmem:s23+$0x100];
	_ =	sdelay $0x4  }
0x22d: {  	v0 =	vmul.f32 v0, v62;
	_ =	sdelay $0x1  }
0x22e: {  	v0 =	vadd.f32 v0, v4;
	_ =	sdelay $0x1  }
0x22f: {  	[tilespmem:s23+$0x3300] =	vst v0  }
0x230: {  	v0 =	vld [tilespmem:s21+$0x50];
	_ =	sdelay $0x4  }
0x231: {  	v0 =	vmul.f32 v0, v62;
	_ =	sdelay $0x1  }
0x232: {  	v0 =	vadd.f32 v0, v4;
	_ =	sdelay $0x1  }
0x233: {  	[tilespmem:s22+$0x50] =	vst v0  }
0x234: {  	v0 =	vld [tilespmem:s21+$0x60];
	_ =	sdelay $0x4  }
0x235: {  	v0 =	vmul.f32 v0, v62;
	_ =	sdelay $0x1  }
0x236: {  	v0 =	vadd.f32 v0, v4;
	_ =	sdelay $0x1  }
0x237: {  	[tilespmem:s22+$0x60] =	vst v0  }
0x238: {  	v0 =	vld [tilespmem:s21+$0x70];
	_ =	sdelay $0x4  }
0x239: {  	v0 =	vmul.f32 v0, v62;
	_ =	sdelay $0x1  }
0x23a: {  	v0 =	vadd.f32 v0, v4;
	_ =	sdelay $0x1  }
0x23b: {  	[tilespmem:s22+$0x70] =	vst v0  }
0x23c: {  	v0 =	vld [tilespmem:s21+$0x80];
	_ =	sdelay $0x4  }
0x23d: {  	v0 =	vmul.f32 v0, v62;
	_ =	sdelay $0x1  }
0x23e: {  	v0 =	vadd.f32 v0, v4;
	_ =	sdelay $0x1  }
0x23f: {  	[tilespmem:s22+$0x80] =	vst v0  }
0x240: {  	v0 =	vld [tilespmem:s21+$0x90];
	_ =	sdelay $0x4  }
0x241: {  	v0 =	vmul.f32 v0, v62;
	_ =	sdelay $0x1  }
0x242: {  	v0 =	vadd.f32 v0, v4;
	_ =	sdelay $0x1  }
0x243: {  	[tilespmem:s22+$0x90] =	vst v0  }
0x244: {  	v0 =	vld [tilespmem:s21+$0xA0];
	_ =	sdelay $0x4  }
0x245: {  	v0 =	vmul.f32 v0, v62;
	_ =	sdelay $0x1  }
0x246: {  	v0 =	vadd.f32 v0, v4;
	_ =	sdelay $0x1  }
0x247: {  	[tilespmem:s22+$0xA0] =	vst v0  }
0x248: {  	v0 =	vld [tilespmem:s21+$0xB0];
	_ =	sdelay $0x4  }
0x249: {  	v0 =	vmul.f32 v0, v62;
	_ =	sdelay $0x1  }
0x24a: {  	v0 =	vadd.f32 v0, v4;
	_ =	sdelay $0x1  }
0x24b: {  	[tilespmem:s22+$0xB0] =	vst v0  }
0x24c: {  	v0 =	vld [tilespmem:s23+$0x180];
	_ =	sdelay $0x4  }
0x24d: {  	v0 =	vmul.f32 v0, v62;
	_ =	sdelay $0x1  }
0x24e: {  	s19 =	sadd.s32 $0x1, s19;
	v0 =	vadd.f32 v0, v4  }
0x24f: {  	p0 =	sne.s32 s19, $0x8  }
.Ltmp1:
0x250: {  	s20 =	sadd.s32 s7, s20;
	[tilespmem:s23+$0x3380] =	vst v0;
	(pc) =	sbr.rel @p0 .LBB2_2-.Ltmp1, $4  }
0x251: {  	[hbm4b:s20+s5] =	stream.linear.scatter [tilespmem:s16], [sflag:$0x1], $0x3200, $0x38;
	[tilespmem:$0x6B00] =	vst v63  }
0x252: {  	_ =	swait.ge [sflag:s11], $0x3200  }
0x253: {  	[sflag:s11] =	ssyncset.done $0x0  }
0x254: {  	s18 =	sadd.s32 $0x40, s18;
	[sflag:s11] =	ssyncadd.s32 $0xFFFFCE00  }
0x255: {  	s17 =	sadd.s32 $0x1, s17  }
0x256: {  	p0 =	sne.s32 s17, s9  }
.Ltmp2:
0x257: {  	_ = 	snop;
	(pc) =	sbr.rel @p0 .LBB2_1-.Ltmp2, $1  }
0x258: {  	_ =	sdelay $0x3  }
0x259: {  	_ =	sfence.sel $0x180000  }
0x25a: {  	[bflag:$0x0] =	sbarrier.arrive $0xFFFF  }
0x25b: {  	p0 =	sne.s32 s3, $0x0;
	_ =	strace $0x90000047  }
0x25c: {  	s0 =	sadd.s32 @!p0 $0x100000, s0;
	[bflag:$0x2] =	sbarrier.arrive $0xFFFF  }
0x25d: {  	[sflag:s0] =	ssyncadd.tile.s32 @!p0 $0x1;
	_ =	shalt  }
.Lfunc_end2:
_tile_overlayer_lowered:
.L_overlay_start_2:
0x25e: {  	(tag) =	ssettag $0x2  }
0x25f: {  	s0 =	rddreg [dreg:$0x0];
	s2 =	stileid.u32  }
0x260: {  	s1 =	rddreg [dreg:$0x1];
	p0 =	sne.s32 s2, $0x0  }
0x261: {  	s3 =	rddreg [dreg:$0x2];
	[bflag:$0x3] =	sbarrier.arrive $0xFFFF;
	s2 =	simm.s32 @!p0 $0x1C01  }
0x262: {  	[timem:s3], [sflag:s2] =	dma.local @!p0 [hbm:s0], s1  }
0x263: {  	s0 =	simm.s32 @!p0 $0x1  }
0x264: {  	_ =	swait.ge @!p0 [sflag:s0], s1  }
0x265: {  	s1 =	ssub.s32 @!p0 $0x0, s1;
	[sflag:s0] =	ssyncset.done @!p0 $0x0  }
0x266: {  	[sflag:s0] =	ssyncadd.s32 @!p0 s1  }
0x267: {  	[bflag:$0x3] =	sbarrier.arrive $0xFFFF  }
0x268: {  	_ =	shalt  }

</sc_bundles>
